<compile_context>
chip_gen: v7x
topology: tpu7x:2x2x1
jax: 0.10.2.dev20260603
libtpu: 0.0.44.dev20260713+nightly
codegen_flags: <defaults>
</compile_context>

<pallas_src>
import functools

import jax
import jax.numpy as jnp
from jax import lax
from jax.experimental import pallas as pl
from jax.experimental.pallas import tpu as pltpu
from jax.experimental.pallas import tpu_sc as plsc

N_NODES = 10000
N_EDGES = 320000
D = 128
NC = 2
NS = 16
NW = NC * NS
CH = 80
CPT = N_EDGES // NW // CH
ROWS_PT = N_NODES // NS
NBUF = 3


def _sc_aggregate(X, idxA, idxB, zeros):
    mesh = plsc.VectorSubcoreMesh(core_axis_name="c", subcore_axis_name="s")

    @functools.partial(
        pl.kernel,
        out_type=jax.ShapeDtypeStruct((NC, N_NODES, D), jnp.float32),
        mesh=mesh,
        scratch_types=[
            pltpu.VMEM_SHARED((N_NODES, D), jnp.float32),
            pltpu.VMEM((CPT, CH), jnp.int32),
            pltpu.VMEM((CPT, CH), jnp.int32),
            [pltpu.VMEM((CH, D), jnp.float32) for _ in range(NBUF)],
            [pltpu.SemaphoreType.DMA for _ in range(NBUF)],
            [pltpu.SemaphoreType.DMA for _ in range(NBUF)],
        ],
        compiler_params=pltpu.CompilerParams(use_tc_tiling_on_sc=False),
    )
    def agg_kernel(x_hbm, ia_hbm, ib_hbm, z_hbm, out_hbm,
                   acc_sh, ia_v, ib_v, bufs, gsems, ssems):
        c = lax.axis_index("c")
        s = lax.axis_index("s")
        w = c * NS + s

        pltpu.sync_copy(ia_hbm.at[w], ia_v)
        pltpu.sync_copy(ib_hbm.at[w], ib_v)

        def start_gather(b, cix):
            pltpu.async_copy(x_hbm.at[ia_v.at[cix]], bufs[b], gsems[b])

        def wait_gather(b, cix):
            pltpu.make_async_copy(x_hbm.at[ia_v.at[cix]], bufs[b], gsems[b]).wait()

        def start_scatter(b, cix):
            pltpu.async_copy(bufs[b], acc_sh.at[ib_v.at[cix]], ssems[b], add=True)

        def wait_scatter(b, cix):
            pltpu.make_async_copy(bufs[b], acc_sh.at[ib_v.at[cix]], ssems[b]).wait()

        start_gather(0, 0)
        start_gather(1, 1)

        pltpu.sync_copy(z_hbm, bufs[2])
        for r in range(ROWS_PT // CH):
            pltpu.sync_copy(bufs[2], acc_sh.at[pl.ds(s * ROWS_PT + r * CH, CH)])
        rem = ROWS_PT % CH
        if rem:
            pltpu.sync_copy(
                bufs[2].at[pl.ds(0, rem)],
                acc_sh.at[pl.ds(s * ROWS_PT + (ROWS_PT // CH) * CH, rem)])

        plsc.subcore_barrier()

        def visit(cix, b, guarded):
            b2 = (b + 2) % NBUF
            wait_gather(b, cix)
            start_scatter(b, cix)
            if guarded:
                @pl.when(cix >= 1)
                def _():
                    wait_scatter(b2, cix - 1)

                @pl.when(cix + 2 < CPT)
                def _():
                    start_gather(b2, cix + 2)
            else:
                wait_scatter(b2, cix - 1)
                if cix + 2 < CPT:
                    start_gather(b2, cix + 2)

        NFULL = (CPT // NBUF) * NBUF
        @pl.loop(0, CPT // NBUF)
        def _(j):
            for b in range(NBUF):
                visit(j * NBUF + b, b, True)

        for cix in range(NFULL, CPT):
            visit(cix, cix % NBUF, False)

        wait_scatter((CPT - 1) % NBUF, CPT - 1)

        plsc.subcore_barrier()

        pltpu.sync_copy(acc_sh.at[pl.ds(s * ROWS_PT, ROWS_PT)],
                        out_hbm.at[c, pl.ds(s * ROWS_PT, ROWS_PT)])

    return agg_kernel(X, idxA, idxB, zeros)


def _mlp_body(x_ref, p_ref, w1_ref, b1_ref, w2_ref, b2_ref, o_ref):
    conv = x_ref[...] + p_ref[0] + p_ref[1]
    h = jnp.maximum(
        jnp.dot(conv, w1_ref[...], preferred_element_type=jnp.float32)
        + b1_ref[...], 0.0)
    o_ref[...] = jnp.maximum(
        jnp.dot(h, w2_ref[...], preferred_element_type=jnp.float32)
        + b2_ref[...], 0.0)


def _tc_mlp(X, partials, w1, b1, w2, b2):
    BR = 2000
    return pl.pallas_call(
        _mlp_body,
        grid=(N_NODES // BR,),
        in_specs=[
            pl.BlockSpec((BR, D), lambda i: (i, 0)),
            pl.BlockSpec((NC, BR, D), lambda i: (0, i, 0)),
            pl.BlockSpec((D, D), lambda i: (0, 0)),
            pl.BlockSpec((D,), lambda i: (0,)),
            pl.BlockSpec((D, D), lambda i: (0, 0)),
            pl.BlockSpec((D,), lambda i: (0,)),
        ],
        out_specs=pl.BlockSpec((BR, D), lambda i: (i, 0)),
        out_shape=jax.ShapeDtypeStruct((N_NODES, D), jnp.float32),
    )(X, partials, w1, b1, w2, b2)


def kernel(X, ref_A, ref_B, w1, b1, w2, b2):
    idxA = ref_A.astype(jnp.int32).reshape(NW, CPT, CH)
    idxB = ref_B.astype(jnp.int32).reshape(NW, CPT, CH)
    zeros = jnp.zeros((CH, D), jnp.float32)
    partials = _sc_aggregate(X, idxA, idxB, zeros)
    return _tc_mlp(X, partials, w1, b1, w2, b2)

# --- scband reference (transcript-rebuilt; emitter-appended) ---
"""Pipeline reference for scband-gconvo-layer-19078244729205 (READ-ONLY COPY).

The authoritative reference and input builder live on the scoring server;
editing this copy changes nothing except your own understanding.
"""

import jax, jax.numpy as jnp
import numpy as np

N_NODES = 10000
N_EDGES = 320000
D_FEAT = 128
UNITS = 128
EPS = 0.0


def setup_inputs(seed: int = 0) -> dict:
    key = jax.random.key(seed)
    k1, k2, k3, k4, k5 = jax.random.split(key, 5)
    X = jax.random.normal(k1, (N_NODES, D_FEAT), dtype=jnp.float32)
    ref_A = jax.random.randint(k2, (N_EDGES,), 0, N_NODES, dtype=jnp.int64)
    ref_B = jax.random.randint(k3, (N_EDGES,), 0, N_NODES, dtype=jnp.int64)
    # Glorot-uniform initialized weights per Keras build()
    lim1 = float(np.sqrt(6.0 / (D_FEAT + UNITS)))
    w1 = jax.random.uniform(k4, (D_FEAT, UNITS), dtype=jnp.float32, minval=-lim1, maxval=lim1)
    b1 = jnp.zeros((UNITS,), dtype=jnp.float32)
    lim2 = float(np.sqrt(6.0 / (UNITS + UNITS)))
    w2 = jax.random.uniform(k5, (UNITS, UNITS), dtype=jnp.float32, minval=-lim2, maxval=lim2)
    b2 = jnp.zeros((UNITS,), dtype=jnp.float32)
    return {"X": X, "ref_A": ref_A, "ref_B": ref_B, "w1": w1, "b1": b1, "w2": w2, "b2": b2}


def reference(X, ref_A, ref_B, w1, b1, w2, b2):
    # c.convolution(X, ref_A, ref_B, mask=None):
    # gather source-node features along edges, scatter-add into destination nodes
    gathered = jnp.take(X, ref_A, axis=0)                      # [E, d]
    agg = jnp.zeros_like(X).at[ref_B].add(gathered)            # [N, d]
    conv_X = (1.0 + EPS) * X + agg                             # GIN-style aggregation
    h = jax.nn.relu(conv_X @ w1 + b1)
    out = jax.nn.relu(h @ w2 + b2)
    return out

if __name__ == "__main__":
    import jax
    _d = setup_inputs()
    print(jax.jit(kernel)(*tuple(_d.values())))

</pallas_src>

<mosaic_0001>
#map = affine_map<(d0, d1) -> (0, 0)>
#map1 = affine_map<(d0, d1) -> (0, 0, 0)>
module attributes {stable_mosaic.version = 14 : i64} {
  func.func @agg_kernel(%arg0: i32, %arg1: i32, %arg2: memref<10000x128xf32, #tpu.memory_space<hbm>>, %arg3: memref<32x125x80xi32, #tpu.memory_space<hbm>>, %arg4: memref<32x125x80xi32, #tpu.memory_space<hbm>>, %arg5: memref<80x128xf32, #tpu.memory_space<hbm>>, %arg6: memref<2x10000x128xf32, #tpu.memory_space<hbm>>, %arg7: memref<10000x128xf32, #tpu.memory_space<vmem_shared>>, %arg8: memref<125x80xi32, #tpu.memory_space<vmem>>, %arg9: memref<125x80xi32, #tpu.memory_space<vmem>>, %arg10: memref<80x128xf32, #tpu.memory_space<vmem>>, %arg11: memref<80x128xf32, #tpu.memory_space<vmem>>, %arg12: memref<80x128xf32, #tpu.memory_space<vmem>>, %arg13: memref<!tpu.dma_semaphore, #tpu.memory_space<semaphore_mem>>, %arg14: memref<!tpu.dma_semaphore, #tpu.memory_space<semaphore_mem>>, %arg15: memref<!tpu.dma_semaphore, #tpu.memory_space<semaphore_mem>>, %arg16: memref<!tpu.dma_semaphore, #tpu.memory_space<semaphore_mem>>, %arg17: memref<!tpu.dma_semaphore, #tpu.memory_space<semaphore_mem>>, %arg18: memref<!tpu.dma_semaphore, #tpu.memory_space<semaphore_mem>>) attributes {dimension_semantics = [#tpu.dimension_semantics<core_parallel>, #tpu.dimension_semantics<subcore_parallel>], iteration_bounds = array<i64: 2, 16>, scalar_prefetch = 0 : i64, scratch_operands = 12 : i64, tpu.core_type = #tpu.core_type<sc_vector_subcore>, window_params = [{transform_indices = #map}, {transform_indices = #map1}, {transform_indices = #map1}, {transform_indices = #map}, {transform_indices = #map1}]} {
    %mul3A = arith.constant 16 : i32
    %mul3A_0 = arith.muli %arg0, %mul3A : i32
    %add3A = arith.addi %mul3A_0, %arg1 : i32
    "tpu.region"() ({
      %run_scoped3A = tpu.sem_alloc : memref<!tpu.dma_semaphore, #tpu.memory_space<semaphore_mem>>
      %dma_start3A_103 = arith.constant 0 : i32
      %dma_start3A_104 = arith.constant 0 : i32
      %dma_start3A_105 = tpu.memref_slice %arg3[%add3A, %dma_start3A_103, %dma_start3A_104] : memref<32x125x80xi32, #tpu.memory_space<hbm>> -> memref<1x125x80xi32, #tpu.memory_space<hbm>>
      %dma_start3A_106 = tpu.memref_squeeze %dma_start3A_105 : memref<1x125x80xi32, #tpu.memory_space<hbm>> -> memref<125x80xi32, #tpu.memory_space<hbm>>
      %dma_start3A_107 = arith.constant 0 : i32
      %dma_start3A_108 = arith.constant 0 : i32
      %dma_start3A_109 = tpu.memref_slice %arg3[%add3A, %dma_start3A_107, %dma_start3A_108] : memref<32x125x80xi32, #tpu.memory_space<hbm>> -> memref<1x125x80xi32, #tpu.memory_space<hbm>>
      %dma_start3A_110 = tpu.memref_squeeze %dma_start3A_109 : memref<1x125x80xi32, #tpu.memory_space<hbm>> -> memref<125x80xi32, #tpu.memory_space<hbm>>
      tpu.enqueue_dma source(%dma_start3A_110 : memref<125x80xi32, #tpu.memory_space<hbm>>) target(%arg8 : memref<125x80xi32, #tpu.memory_space<vmem>>) target_semaphore(%run_scoped3A : memref<!tpu.dma_semaphore, #tpu.memory_space<semaphore_mem>>)
      %dma_wait3A_111 = arith.constant 0 : i32
      %dma_wait3A_112 = arith.constant 0 : i32
      %dma_wait3A_113 = tpu.memref_slice %arg3[%add3A, %dma_wait3A_111, %dma_wait3A_112] : memref<32x125x80xi32, #tpu.memory_space<hbm>> -> memref<1x125x80xi32, #tpu.memory_space<hbm>>
      %dma_wait3A_114 = tpu.memref_squeeze %dma_wait3A_113 : memref<1x125x80xi32, #tpu.memory_space<hbm>> -> memref<125x80xi32, #tpu.memory_space<hbm>>
      %dma_wait3A_115 = arith.constant 0 : i32
      %dma_wait3A_116 = arith.constant 0 : i32
      %dma_wait3A_117 = tpu.memref_slice %arg3[%add3A, %dma_wait3A_115, %dma_wait3A_116] : memref<32x125x80xi32, #tpu.memory_space<hbm>> -> memref<1x125x80xi32, #tpu.memory_space<hbm>>
      %dma_wait3A_118 = tpu.memref_squeeze %dma_wait3A_117 : memref<1x125x80xi32, #tpu.memory_space<hbm>> -> memref<125x80xi32, #tpu.memory_space<hbm>>
      tpu.wait_dma2 semaphore(%run_scoped3A : memref<!tpu.dma_semaphore, #tpu.memory_space<semaphore_mem>>) src(%dma_wait3A_118 : memref<125x80xi32, #tpu.memory_space<hbm>>) dst(%arg8 : memref<125x80xi32, #tpu.memory_space<vmem>>)
      tpu.yield
    }) : () -> ()
    "tpu.region"() ({
      %run_scoped3A = tpu.sem_alloc : memref<!tpu.dma_semaphore, #tpu.memory_space<semaphore_mem>>
      %dma_start3A_103 = arith.constant 0 : i32
      %dma_start3A_104 = arith.constant 0 : i32
      %dma_start3A_105 = tpu.memref_slice %arg4[%add3A, %dma_start3A_103, %dma_start3A_104] : memref<32x125x80xi32, #tpu.memory_space<hbm>> -> memref<1x125x80xi32, #tpu.memory_space<hbm>>
      %dma_start3A_106 = tpu.memref_squeeze %dma_start3A_105 : memref<1x125x80xi32, #tpu.memory_space<hbm>> -> memref<125x80xi32, #tpu.memory_space<hbm>>
      %dma_start3A_107 = arith.constant 0 : i32
      %dma_start3A_108 = arith.constant 0 : i32
      %dma_start3A_109 = tpu.memref_slice %arg4[%add3A, %dma_start3A_107, %dma_start3A_108] : memref<32x125x80xi32, #tpu.memory_space<hbm>> -> memref<1x125x80xi32, #tpu.memory_space<hbm>>
      %dma_start3A_110 = tpu.memref_squeeze %dma_start3A_109 : memref<1x125x80xi32, #tpu.memory_space<hbm>> -> memref<125x80xi32, #tpu.memory_space<hbm>>
      tpu.enqueue_dma source(%dma_start3A_110 : memref<125x80xi32, #tpu.memory_space<hbm>>) target(%arg9 : memref<125x80xi32, #tpu.memory_space<vmem>>) target_semaphore(%run_scoped3A : memref<!tpu.dma_semaphore, #tpu.memory_space<semaphore_mem>>)
      %dma_wait3A_111 = arith.constant 0 : i32
      %dma_wait3A_112 = arith.constant 0 : i32
      %dma_wait3A_113 = tpu.memref_slice %arg4[%add3A, %dma_wait3A_111, %dma_wait3A_112] : memref<32x125x80xi32, #tpu.memory_space<hbm>> -> memref<1x125x80xi32, #tpu.memory_space<hbm>>
      %dma_wait3A_114 = tpu.memref_squeeze %dma_wait3A_113 : memref<1x125x80xi32, #tpu.memory_space<hbm>> -> memref<125x80xi32, #tpu.memory_space<hbm>>
      %dma_wait3A_115 = arith.constant 0 : i32
      %dma_wait3A_116 = arith.constant 0 : i32
      %dma_wait3A_117 = tpu.memref_slice %arg4[%add3A, %dma_wait3A_115, %dma_wait3A_116] : memref<32x125x80xi32, #tpu.memory_space<hbm>> -> memref<1x125x80xi32, #tpu.memory_space<hbm>>
      %dma_wait3A_118 = tpu.memref_squeeze %dma_wait3A_117 : memref<1x125x80xi32, #tpu.memory_space<hbm>> -> memref<125x80xi32, #tpu.memory_space<hbm>>
      tpu.wait_dma2 semaphore(%run_scoped3A : memref<!tpu.dma_semaphore, #tpu.memory_space<semaphore_mem>>) src(%dma_wait3A_118 : memref<125x80xi32, #tpu.memory_space<hbm>>) dst(%arg9 : memref<125x80xi32, #tpu.memory_space<vmem>>)
      tpu.yield
    }) : () -> ()
    %dma_start3A = arith.constant 0 : i32
    %dma_start3A_1 = arith.constant 0 : i32
    %dma_start3A_2 = tpu.memref_slice %arg8[%dma_start3A, %dma_start3A_1] : memref<125x80xi32, #tpu.memory_space<vmem>> -> memref<1x80xi32, #tpu.memory_space<vmem>>
    %dma_start3A_3 = tpu.memref_squeeze %dma_start3A_2 : memref<1x80xi32, #tpu.memory_space<vmem>> -> memref<80xi32, #tpu.memory_space<vmem>>
    %dma_start3A_4 = arith.constant 0 : i32
    %dma_start3A_5 = arith.constant 0 : i32
    %dma_start3A_6 = tpu.memref_slice %arg2[%dma_start3A_4, %dma_start3A_5] : memref<10000x128xf32, #tpu.memory_space<hbm>> -> memref<10000x128xf32, #tpu.memory_space<hbm>>
    tpu.enqueue_indirect_dma source(%dma_start3A_6 : memref<10000x128xf32, #tpu.memory_space<hbm>>) target(%arg10 : memref<80x128xf32, #tpu.memory_space<vmem>>) offsets(%dma_start3A_3 : memref<80xi32, #tpu.memory_space<vmem>>) semaphore(%arg13 : memref<!tpu.dma_semaphore, #tpu.memory_space<semaphore_mem>>)
    %dma_start3A_7 = arith.constant 1 : i32
    %dma_start3A_8 = arith.constant 0 : i32
    %dma_start3A_9 = tpu.memref_slice %arg8[%dma_start3A_7, %dma_start3A_8] : memref<125x80xi32, #tpu.memory_space<vmem>> -> memref<1x80xi32, #tpu.memory_space<vmem>>
    %dma_start3A_10 = tpu.memref_squeeze %dma_start3A_9 : memref<1x80xi32, #tpu.memory_space<vmem>> -> memref<80xi32, #tpu.memory_space<vmem>>
    %dma_start3A_11 = arith.constant 0 : i32
    %dma_start3A_12 = arith.constant 0 : i32
    %dma_start3A_13 = tpu.memref_slice %arg2[%dma_start3A_11, %dma_start3A_12] : memref<10000x128xf32, #tpu.memory_space<hbm>> -> memref<10000x128xf32, #tpu.memory_space<hbm>>
    tpu.enqueue_indirect_dma source(%dma_start3A_13 : memref<10000x128xf32, #tpu.memory_space<hbm>>) target(%arg11 : memref<80x128xf32, #tpu.memory_space<vmem>>) offsets(%dma_start3A_10 : memref<80xi32, #tpu.memory_space<vmem>>) semaphore(%arg14 : memref<!tpu.dma_semaphore, #tpu.memory_space<semaphore_mem>>)
    "tpu.region"() ({
      %run_scoped3A = tpu.sem_alloc : memref<!tpu.dma_semaphore, #tpu.memory_space<semaphore_mem>>
      tpu.enqueue_dma source(%arg5 : memref<80x128xf32, #tpu.memory_space<hbm>>) target(%arg12 : memref<80x128xf32, #tpu.memory_space<vmem>>) target_semaphore(%run_scoped3A : memref<!tpu.dma_semaphore, #tpu.memory_space<semaphore_mem>>)
      tpu.wait_dma2 semaphore(%run_scoped3A : memref<!tpu.dma_semaphore, #tpu.memory_space<semaphore_mem>>) src(%arg5 : memref<80x128xf32, #tpu.memory_space<hbm>>) dst(%arg12 : memref<80x128xf32, #tpu.memory_space<vmem>>)
      tpu.yield
    }) : () -> ()
    %mul3A_14 = arith.constant 625 : i32
    %mul3A_15 = arith.muli %arg1, %mul3A_14 : i32
    %add3A_16 = arith.constant 0 : i32
    %add3A_17 = arith.addi %mul3A_15, %add3A_16 : i32
    "tpu.region"() ({
      %run_scoped3A = tpu.sem_alloc : memref<!tpu.dma_semaphore, #tpu.memory_space<semaphore_mem>>
      %dma_start3A_103 = arith.constant 0 : i32
      %dma_start3A_104 = tpu.memref_slice %arg7[%add3A_17, %dma_start3A_103] : memref<10000x128xf32, #tpu.memory_space<vmem_shared>> -> memref<80x128xf32, #tpu.memory_space<vmem_shared>>
      %dma_start3A_105 = arith.constant 0 : i32
      %dma_start3A_106 = tpu.memref_slice %arg7[%add3A_17, %dma_start3A_105] : memref<10000x128xf32, #tpu.memory_space<vmem_shared>> -> memref<80x128xf32, #tpu.memory_space<vmem_shared>>
      tpu.enqueue_dma source(%arg12 : memref<80x128xf32, #tpu.memory_space<vmem>>) target(%dma_start3A_106 : memref<80x128xf32, #tpu.memory_space<vmem_shared>>) target_semaphore(%run_scoped3A : memref<!tpu.dma_semaphore, #tpu.memory_space<semaphore_mem>>)
      %dma_wait3A_107 = arith.constant 0 : i32
      %dma_wait3A_108 = tpu.memref_slice %arg7[%add3A_17, %dma_wait3A_107] : memref<10000x128xf32, #tpu.memory_space<vmem_shared>> -> memref<80x128xf32, #tpu.memory_space<vmem_shared>>
      %dma_wait3A_109 = arith.constant 0 : i32
      %dma_wait3A_110 = tpu.memref_slice %arg7[%add3A_17, %dma_wait3A_109] : memref<10000x128xf32, #tpu.memory_space<vmem_shared>> -> memref<80x128xf32, #tpu.memory_space<vmem_shared>>
      tpu.wait_dma2 semaphore(%run_scoped3A : memref<!tpu.dma_semaphore, #tpu.memory_space<semaphore_mem>>) src(%arg12 : memref<80x128xf32, #tpu.memory_space<vmem>>) dst(%dma_wait3A_110 : memref<80x128xf32, #tpu.memory_space<vmem_shared>>)
      tpu.yield
    }) : () -> ()
    %mul3A_18 = arith.constant 625 : i32
    %mul3A_19 = arith.muli %arg1, %mul3A_18 : i32
    %add3A_20 = arith.constant 80 : i32
    %add3A_21 = arith.addi %mul3A_19, %add3A_20 : i32
    "tpu.region"() ({
      %run_scoped3A = tpu.sem_alloc : memref<!tpu.dma_semaphore, #tpu.memory_space<semaphore_mem>>
      %dma_start3A_103 = arith.constant 0 : i32
      %dma_start3A_104 = tpu.memref_slice %arg7[%add3A_21, %dma_start3A_103] : memref<10000x128xf32, #tpu.memory_space<vmem_shared>> -> memref<80x128xf32, #tpu.memory_space<vmem_shared>>
      %dma_start3A_105 = arith.constant 0 : i32
      %dma_start3A_106 = tpu.memref_slice %arg7[%add3A_21, %dma_start3A_105] : memref<10000x128xf32, #tpu.memory_space<vmem_shared>> -> memref<80x128xf32, #tpu.memory_space<vmem_shared>>
      tpu.enqueue_dma source(%arg12 : memref<80x128xf32, #tpu.memory_space<vmem>>) target(%dma_start3A_106 : memref<80x128xf32, #tpu.memory_space<vmem_shared>>) target_semaphore(%run_scoped3A : memref<!tpu.dma_semaphore, #tpu.memory_space<semaphore_mem>>)
      %dma_wait3A_107 = arith.constant 0 : i32
      %dma_wait3A_108 = tpu.memref_slice %arg7[%add3A_21, %dma_wait3A_107] : memref<10000x128xf32, #tpu.memory_space<vmem_shared>> -> memref<80x128xf32, #tpu.memory_space<vmem_shared>>
      %dma_wait3A_109 = arith.constant 0 : i32
      %dma_wait3A_110 = tpu.memref_slice %arg7[%add3A_21, %dma_wait3A_109] : memref<10000x128xf32, #tpu.memory_space<vmem_shared>> -> memref<80x128xf32, #tpu.memory_space<vmem_shared>>
      tpu.wait_dma2 semaphore(%run_scoped3A : memref<!tpu.dma_semaphore, #tpu.memory_space<semaphore_mem>>) src(%arg12 : memref<80x128xf32, #tpu.memory_space<vmem>>) dst(%dma_wait3A_110 : memref<80x128xf32, #tpu.memory_space<vmem_shared>>)
      tpu.yield
    }) : () -> ()
    %mul3A_22 = arith.constant 625 : i32
    %mul3A_23 = arith.muli %arg1, %mul3A_22 : i32
    %add3A_24 = arith.constant 160 : i32
    %add3A_25 = arith.addi %mul3A_23, %add3A_24 : i32
    "tpu.region"() ({
      %run_scoped3A = tpu.sem_alloc : memref<!tpu.dma_semaphore, #tpu.memory_space<semaphore_mem>>
      %dma_start3A_103 = arith.constant 0 : i32
      %dma_start3A_104 = tpu.memref_slice %arg7[%add3A_25, %dma_start3A_103] : memref<10000x128xf32, #tpu.memory_space<vmem_shared>> -> memref<80x128xf32, #tpu.memory_space<vmem_shared>>
      %dma_start3A_105 = arith.constant 0 : i32
      %dma_start3A_106 = tpu.memref_slice %arg7[%add3A_25, %dma_start3A_105] : memref<10000x128xf32, #tpu.memory_space<vmem_shared>> -> memref<80x128xf32, #tpu.memory_space<vmem_shared>>
      tpu.enqueue_dma source(%arg12 : memref<80x128xf32, #tpu.memory_space<vmem>>) target(%dma_start3A_106 : memref<80x128xf32, #tpu.memory_space<vmem_shared>>) target_semaphore(%run_scoped3A : memref<!tpu.dma_semaphore, #tpu.memory_space<semaphore_mem>>)
      %dma_wait3A_107 = arith.constant 0 : i32
      %dma_wait3A_108 = tpu.memref_slice %arg7[%add3A_25, %dma_wait3A_107] : memref<10000x128xf32, #tpu.memory_space<vmem_shared>> -> memref<80x128xf32, #tpu.memory_space<vmem_shared>>
      %dma_wait3A_109 = arith.constant 0 : i32
      %dma_wait3A_110 = tpu.memref_slice %arg7[%add3A_25, %dma_wait3A_109] : memref<10000x128xf32, #tpu.memory_space<vmem_shared>> -> memref<80x128xf32, #tpu.memory_space<vmem_shared>>
      tpu.wait_dma2 semaphore(%run_scoped3A : memref<!tpu.dma_semaphore, #tpu.memory_space<semaphore_mem>>) src(%arg12 : memref<80x128xf32, #tpu.memory_space<vmem>>) dst(%dma_wait3A_110 : memref<80x128xf32, #tpu.memory_space<vmem_shared>>)
      tpu.yield
    }) : () -> ()
    %mul3A_26 = arith.constant 625 : i32
    %mul3A_27 = arith.muli %arg1, %mul3A_26 : i32
    %add3A_28 = arith.constant 240 : i32
    %add3A_29 = arith.addi %mul3A_27, %add3A_28 : i32
    "tpu.region"() ({
      %run_scoped3A = tpu.sem_alloc : memref<!tpu.dma_semaphore, #tpu.memory_space<semaphore_mem>>
      %dma_start3A_103 = arith.constant 0 : i32
      %dma_start3A_104 = tpu.memref_slice %arg7[%add3A_29, %dma_start3A_103] : memref<10000x128xf32, #tpu.memory_space<vmem_shared>> -> memref<80x128xf32, #tpu.memory_space<vmem_shared>>
      %dma_start3A_105 = arith.constant 0 : i32
      %dma_start3A_106 = tpu.memref_slice %arg7[%add3A_29, %dma_start3A_105] : memref<10000x128xf32, #tpu.memory_space<vmem_shared>> -> memref<80x128xf32, #tpu.memory_space<vmem_shared>>
      tpu.enqueue_dma source(%arg12 : memref<80x128xf32, #tpu.memory_space<vmem>>) target(%dma_start3A_106 : memref<80x128xf32, #tpu.memory_space<vmem_shared>>) target_semaphore(%run_scoped3A : memref<!tpu.dma_semaphore, #tpu.memory_space<semaphore_mem>>)
      %dma_wait3A_107 = arith.constant 0 : i32
      %dma_wait3A_108 = tpu.memref_slice %arg7[%add3A_29, %dma_wait3A_107] : memref<10000x128xf32, #tpu.memory_space<vmem_shared>> -> memref<80x128xf32, #tpu.memory_space<vmem_shared>>
      %dma_wait3A_109 = arith.constant 0 : i32
      %dma_wait3A_110 = tpu.memref_slice %arg7[%add3A_29, %dma_wait3A_109] : memref<10000x128xf32, #tpu.memory_space<vmem_shared>> -> memref<80x128xf32, #tpu.memory_space<vmem_shared>>
      tpu.wait_dma2 semaphore(%run_scoped3A : memref<!tpu.dma_semaphore, #tpu.memory_space<semaphore_mem>>) src(%arg12 : memref<80x128xf32, #tpu.memory_space<vmem>>) dst(%dma_wait3A_110 : memref<80x128xf32, #tpu.memory_space<vmem_shared>>)
      tpu.yield
    }) : () -> ()
    %mul3A_30 = arith.constant 625 : i32
    %mul3A_31 = arith.muli %arg1, %mul3A_30 : i32
    %add3A_32 = arith.constant 320 : i32
    %add3A_33 = arith.addi %mul3A_31, %add3A_32 : i32
    "tpu.region"() ({
      %run_scoped3A = tpu.sem_alloc : memref<!tpu.dma_semaphore, #tpu.memory_space<semaphore_mem>>
      %dma_start3A_103 = arith.constant 0 : i32
      %dma_start3A_104 = tpu.memref_slice %arg7[%add3A_33, %dma_start3A_103] : memref<10000x128xf32, #tpu.memory_space<vmem_shared>> -> memref<80x128xf32, #tpu.memory_space<vmem_shared>>
      %dma_start3A_105 = arith.constant 0 : i32
      %dma_start3A_106 = tpu.memref_slice %arg7[%add3A_33, %dma_start3A_105] : memref<10000x128xf32, #tpu.memory_space<vmem_shared>> -> memref<80x128xf32, #tpu.memory_space<vmem_shared>>
      tpu.enqueue_dma source(%arg12 : memref<80x128xf32, #tpu.memory_space<vmem>>) target(%dma_start3A_106 : memref<80x128xf32, #tpu.memory_space<vmem_shared>>) target_semaphore(%run_scoped3A : memref<!tpu.dma_semaphore, #tpu.memory_space<semaphore_mem>>)
      %dma_wait3A_107 = arith.constant 0 : i32
      %dma_wait3A_108 = tpu.memref_slice %arg7[%add3A_33, %dma_wait3A_107] : memref<10000x128xf32, #tpu.memory_space<vmem_shared>> -> memref<80x128xf32, #tpu.memory_space<vmem_shared>>
      %dma_wait3A_109 = arith.constant 0 : i32
      %dma_wait3A_110 = tpu.memref_slice %arg7[%add3A_33, %dma_wait3A_109] : memref<10000x128xf32, #tpu.memory_space<vmem_shared>> -> memref<80x128xf32, #tpu.memory_space<vmem_shared>>
      tpu.wait_dma2 semaphore(%run_scoped3A : memref<!tpu.dma_semaphore, #tpu.memory_space<semaphore_mem>>) src(%arg12 : memref<80x128xf32, #tpu.memory_space<vmem>>) dst(%dma_wait3A_110 : memref<80x128xf32, #tpu.memory_space<vmem_shared>>)
      tpu.yield
    }) : () -> ()
    %mul3A_34 = arith.constant 625 : i32
    %mul3A_35 = arith.muli %arg1, %mul3A_34 : i32
    %add3A_36 = arith.constant 400 : i32
    %add3A_37 = arith.addi %mul3A_35, %add3A_36 : i32
    "tpu.region"() ({
      %run_scoped3A = tpu.sem_alloc : memref<!tpu.dma_semaphore, #tpu.memory_space<semaphore_mem>>
      %dma_start3A_103 = arith.constant 0 : i32
      %dma_start3A_104 = tpu.memref_slice %arg7[%add3A_37, %dma_start3A_103] : memref<10000x128xf32, #tpu.memory_space<vmem_shared>> -> memref<80x128xf32, #tpu.memory_space<vmem_shared>>
      %dma_start3A_105 = arith.constant 0 : i32
      %dma_start3A_106 = tpu.memref_slice %arg7[%add3A_37, %dma_start3A_105] : memref<10000x128xf32, #tpu.memory_space<vmem_shared>> -> memref<80x128xf32, #tpu.memory_space<vmem_shared>>
      tpu.enqueue_dma source(%arg12 : memref<80x128xf32, #tpu.memory_space<vmem>>) target(%dma_start3A_106 : memref<80x128xf32, #tpu.memory_space<vmem_shared>>) target_semaphore(%run_scoped3A : memref<!tpu.dma_semaphore, #tpu.memory_space<semaphore_mem>>)
      %dma_wait3A_107 = arith.constant 0 : i32
      %dma_wait3A_108 = tpu.memref_slice %arg7[%add3A_37, %dma_wait3A_107] : memref<10000x128xf32, #tpu.memory_space<vmem_shared>> -> memref<80x128xf32, #tpu.memory_space<vmem_shared>>
      %dma_wait3A_109 = arith.constant 0 : i32
      %dma_wait3A_110 = tpu.memref_slice %arg7[%add3A_37, %dma_wait3A_109] : memref<10000x128xf32, #tpu.memory_space<vmem_shared>> -> memref<80x128xf32, #tpu.memory_space<vmem_shared>>
      tpu.wait_dma2 semaphore(%run_scoped3A : memref<!tpu.dma_semaphore, #tpu.memory_space<semaphore_mem>>) src(%arg12 : memref<80x128xf32, #tpu.memory_space<vmem>>) dst(%dma_wait3A_110 : memref<80x128xf32, #tpu.memory_space<vmem_shared>>)
      tpu.yield
    }) : () -> ()
    %mul3A_38 = arith.constant 625 : i32
    %mul3A_39 = arith.muli %arg1, %mul3A_38 : i32
    %add3A_40 = arith.constant 480 : i32
    %add3A_41 = arith.addi %mul3A_39, %add3A_40 : i32
    "tpu.region"() ({
      %run_scoped3A = tpu.sem_alloc : memref<!tpu.dma_semaphore, #tpu.memory_space<semaphore_mem>>
      %dma_start3A_103 = arith.constant 0 : i32
      %dma_start3A_104 = tpu.memref_slice %arg7[%add3A_41, %dma_start3A_103] : memref<10000x128xf32, #tpu.memory_space<vmem_shared>> -> memref<80x128xf32, #tpu.memory_space<vmem_shared>>
      %dma_start3A_105 = arith.constant 0 : i32
      %dma_start3A_106 = tpu.memref_slice %arg7[%add3A_41, %dma_start3A_105] : memref<10000x128xf32, #tpu.memory_space<vmem_shared>> -> memref<80x128xf32, #tpu.memory_space<vmem_shared>>
      tpu.enqueue_dma source(%arg12 : memref<80x128xf32, #tpu.memory_space<vmem>>) target(%dma_start3A_106 : memref<80x128xf32, #tpu.memory_space<vmem_shared>>) target_semaphore(%run_scoped3A : memref<!tpu.dma_semaphore, #tpu.memory_space<semaphore_mem>>)
      %dma_wait3A_107 = arith.constant 0 : i32
      %dma_wait3A_108 = tpu.memref_slice %arg7[%add3A_41, %dma_wait3A_107] : memref<10000x128xf32, #tpu.memory_space<vmem_shared>> -> memref<80x128xf32, #tpu.memory_space<vmem_shared>>
      %dma_wait3A_109 = arith.constant 0 : i32
      %dma_wait3A_110 = tpu.memref_slice %arg7[%add3A_41, %dma_wait3A_109] : memref<10000x128xf32, #tpu.memory_space<vmem_shared>> -> memref<80x128xf32, #tpu.memory_space<vmem_shared>>
      tpu.wait_dma2 semaphore(%run_scoped3A : memref<!tpu.dma_semaphore, #tpu.memory_space<semaphore_mem>>) src(%arg12 : memref<80x128xf32, #tpu.memory_space<vmem>>) dst(%dma_wait3A_110 : memref<80x128xf32, #tpu.memory_space<vmem_shared>>)
      tpu.yield
    }) : () -> ()
    %mul3A_42 = arith.constant 625 : i32
    %mul3A_43 = arith.muli %arg1, %mul3A_42 : i32
    %add3A_44 = arith.constant 560 : i32
    %add3A_45 = arith.addi %mul3A_43, %add3A_44 : i32
    "tpu.region"() ({
      %run_scoped3A = tpu.sem_alloc : memref<!tpu.dma_semaphore, #tpu.memory_space<semaphore_mem>>
      %dma_start3A_103 = arith.constant 0 : i32
      %dma_start3A_104 = arith.constant 0 : i32
      %dma_start3A_105 = tpu.memref_slice %arg12[%dma_start3A_103, %dma_start3A_104] : memref<80x128xf32, #tpu.memory_space<vmem>> -> memref<65x128xf32, #tpu.memory_space<vmem>>
      %dma_start3A_106 = arith.constant 0 : i32
      %dma_start3A_107 = tpu.memref_slice %arg7[%add3A_45, %dma_start3A_106] : memref<10000x128xf32, #tpu.memory_space<vmem_shared>> -> memref<65x128xf32, #tpu.memory_space<vmem_shared>>
      %dma_start3A_108 = arith.constant 0 : i32
      %dma_start3A_109 = tpu.memref_slice %arg7[%add3A_45, %dma_start3A_108] : memref<10000x128xf32, #tpu.memory_space<vmem_shared>> -> memref<65x128xf32, #tpu.memory_space<vmem_shared>>
      %dma_start3A_110 = arith.constant 0 : i32
      %dma_start3A_111 = arith.constant 0 : i32
      %dma_start3A_112 = tpu.memref_slice %arg12[%dma_start3A_110, %dma_start3A_111] : memref<80x128xf32, #tpu.memory_space<vmem>> -> memref<65x128xf32, #tpu.memory_space<vmem>>
      tpu.enqueue_dma source(%dma_start3A_112 : memref<65x128xf32, #tpu.memory_space<vmem>>) target(%dma_start3A_109 : memref<65x128xf32, #tpu.memory_space<vmem_shared>>) target_semaphore(%run_scoped3A : memref<!tpu.dma_semaphore, #tpu.memory_space<semaphore_mem>>)
      %dma_wait3A_113 = arith.constant 0 : i32
      %dma_wait3A_114 = arith.constant 0 : i32
      %dma_wait3A_115 = tpu.memref_slice %arg12[%dma_wait3A_113, %dma_wait3A_114] : memref<80x128xf32, #tpu.memory_space<vmem>> -> memref<65x128xf32, #tpu.memory_space<vmem>>
      %dma_wait3A_116 = arith.constant 0 : i32
      %dma_wait3A_117 = tpu.memref_slice %arg7[%add3A_45, %dma_wait3A_116] : memref<10000x128xf32, #tpu.memory_space<vmem_shared>> -> memref<65x128xf32, #tpu.memory_space<vmem_shared>>
      %dma_wait3A_118 = arith.constant 0 : i32
      %dma_wait3A_119 = tpu.memref_slice %arg7[%add3A_45, %dma_wait3A_118] : memref<10000x128xf32, #tpu.memory_space<vmem_shared>> -> memref<65x128xf32, #tpu.memory_space<vmem_shared>>
      %dma_wait3A_120 = arith.constant 0 : i32
      %dma_wait3A_121 = arith.constant 0 : i32
      %dma_wait3A_122 = tpu.memref_slice %arg12[%dma_wait3A_120, %dma_wait3A_121] : memref<80x128xf32, #tpu.memory_space<vmem>> -> memref<65x128xf32, #tpu.memory_space<vmem>>
      tpu.wait_dma2 semaphore(%run_scoped3A : memref<!tpu.dma_semaphore, #tpu.memory_space<semaphore_mem>>) src(%dma_wait3A_122 : memref<65x128xf32, #tpu.memory_space<vmem>>) dst(%dma_wait3A_119 : memref<65x128xf32, #tpu.memory_space<vmem_shared>>)
      tpu.yield
    }) : () -> ()
    %barrier3A = arith.constant 0 : index
    tpu.barrier barrier_id(%barrier3A)
    %scan3A = arith.constant 0 : i32
    %scan3A_46 = arith.constant 41 : i32
    %scan3A_47 = arith.addi %scan3A, %scan3A_46 : i32
    %scan3A_48 = arith.constant 1 : i32
    scf.for %scan3A_103 = %scan3A to %scan3A_47 step %scan3A_48  : i32 {
      %mul3A_104 = arith.constant 1 : i32
      %mul3A_105 = arith.muli %scan3A_103, %mul3A_104 : i32
      %add3A_106 = arith.constant 0 : i32
      %add3A_107 = arith.addi %add3A_106, %mul3A_105 : i32
      %mul3A_108 = arith.constant 3 : i32
      %mul3A_109 = arith.muli %add3A_107, %mul3A_108 : i32
      %add3A_110 = arith.constant 0 : i32
      %add3A_111 = arith.addi %mul3A_109, %add3A_110 : i32
      %dma_wait3A_112 = arith.constant 0 : i32
      %dma_wait3A_113 = tpu.memref_slice %arg8[%add3A_111, %dma_wait3A_112] : memref<125x80xi32, #tpu.memory_space<vmem>> -> memref<1x80xi32, #tpu.memory_space<vmem>>
      %dma_wait3A_114 = tpu.memref_squeeze %dma_wait3A_113 : memref<1x80xi32, #tpu.memory_space<vmem>> -> memref<80xi32, #tpu.memory_space<vmem>>
      %dma_wait3A_115 = arith.constant 0 : i32
      %dma_wait3A_116 = arith.constant 0 : i32
      %dma_wait3A_117 = tpu.memref_slice %arg2[%dma_wait3A_115, %dma_wait3A_116] : memref<10000x128xf32, #tpu.memory_space<hbm>> -> memref<10000x128xf32, #tpu.memory_space<hbm>>
      tpu.wait_indirect_dma semaphore(%arg13 : memref<!tpu.dma_semaphore, #tpu.memory_space<semaphore_mem>>) src(%dma_wait3A_117 : memref<10000x128xf32, #tpu.memory_space<hbm>>) dst(%arg10 : memref<80x128xf32, #tpu.memory_space<vmem>>)
      %dma_start3A_118 = arith.constant 0 : i32
      %dma_start3A_119 = tpu.memref_slice %arg9[%add3A_111, %dma_start3A_118] : memref<125x80xi32, #tpu.memory_space<vmem>> -> memref<1x80xi32, #tpu.memory_space<vmem>>
      %dma_start3A_120 = tpu.memref_squeeze %dma_start3A_119 : memref<1x80xi32, #tpu.memory_space<vmem>> -> memref<80xi32, #tpu.memory_space<vmem>>
      %dma_start3A_121 = arith.constant 0 : i32
      %dma_start3A_122 = arith.constant 0 : i32
      %dma_start3A_123 = tpu.memref_slice %arg7[%dma_start3A_121, %dma_start3A_122] : memref<10000x128xf32, #tpu.memory_space<vmem_shared>> -> memref<10000x128xf32, #tpu.memory_space<vmem_shared>>
      tpu.enqueue_indirect_dma source(%arg10 : memref<80x128xf32, #tpu.memory_space<vmem>>) target(%dma_start3A_123 : memref<10000x128xf32, #tpu.memory_space<vmem_shared>>) offsets(%dma_start3A_120 : memref<80xi32, #tpu.memory_space<vmem>>) semaphore(%arg16 : memref<!tpu.dma_semaphore, #tpu.memory_space<semaphore_mem>>) {add = true}
      %ge3A = arith.constant 1 : i32
      %ge3A_124 = arith.cmpi sge, %add3A_111, %ge3A : i32
      %convert_element_type3A = arith.extui %ge3A_124 : i1 to i32
      %cond3A = arith.constant 0 : i32
      %cond3A_125 = arith.cmpi ne, %convert_element_type3A, %cond3A : i32
      scf.if %cond3A_125 {
        %sub3A = arith.constant 1 : i32
        %sub3A_188 = arith.subi %add3A_111, %sub3A : i32
        %dma_wait3A_189 = arith.constant 0 : i32
        %dma_wait3A_190 = tpu.memref_slice %arg9[%sub3A_188, %dma_wait3A_189] : memref<125x80xi32, #tpu.memory_space<vmem>> -> memref<1x80xi32, #tpu.memory_space<vmem>>
        %dma_wait3A_191 = tpu.memref_squeeze %dma_wait3A_190 : memref<1x80xi32, #tpu.memory_space<vmem>> -> memref<80xi32, #tpu.memory_space<vmem>>
        %dma_wait3A_192 = arith.constant 0 : i32
        %dma_wait3A_193 = arith.constant 0 : i32
        %dma_wait3A_194 = tpu.memref_slice %arg7[%dma_wait3A_192, %dma_wait3A_193] : memref<10000x128xf32, #tpu.memory_space<vmem_shared>> -> memref<10000x128xf32, #tpu.memory_space<vmem_shared>>
        tpu.wait_indirect_dma semaphore(%arg18 : memref<!tpu.dma_semaphore, #tpu.memory_space<semaphore_mem>>) src(%arg12 : memref<80x128xf32, #tpu.memory_space<vmem>>) dst(%dma_wait3A_194 : memref<10000x128xf32, #tpu.memory_space<vmem_shared>>)
      } else {
      }
      %add3A_126 = arith.constant 2 : i32
      %add3A_127 = arith.addi %add3A_111, %add3A_126 : i32
      %lt3A = arith.constant 125 : i32
      %lt3A_128 = arith.cmpi slt, %add3A_127, %lt3A : i32
      %convert_element_type3A_129 = arith.extui %lt3A_128 : i1 to i32
      %cond3A_130 = arith.constant 0 : i32
      %cond3A_131 = arith.cmpi ne, %convert_element_type3A_129, %cond3A_130 : i32
      scf.if %cond3A_131 {
        %add3A_188 = arith.constant 2 : i32
        %add3A_189 = arith.addi %add3A_111, %add3A_188 : i32
        %dma_start3A_190 = arith.constant 0 : i32
        %dma_start3A_191 = tpu.memref_slice %arg8[%add3A_189, %dma_start3A_190] : memref<125x80xi32, #tpu.memory_space<vmem>> -> memref<1x80xi32, #tpu.memory_space<vmem>>
        %dma_start3A_192 = tpu.memref_squeeze %dma_start3A_191 : memref<1x80xi32, #tpu.memory_space<vmem>> -> memref<80xi32, #tpu.memory_space<vmem>>
        %dma_start3A_193 = arith.constant 0 : i32
        %dma_start3A_194 = arith.constant 0 : i32
        %dma_start3A_195 = tpu.memref_slice %arg2[%dma_start3A_193, %dma_start3A_194] : memref<10000x128xf32, #tpu.memory_space<hbm>> -> memref<10000x128xf32, #tpu.memory_space<hbm>>
        tpu.enqueue_indirect_dma source(%dma_start3A_195 : memref<10000x128xf32, #tpu.memory_space<hbm>>) target(%arg12 : memref<80x128xf32, #tpu.memory_space<vmem>>) offsets(%dma_start3A_192 : memref<80xi32, #tpu.memory_space<vmem>>) semaphore(%arg15 : memref<!tpu.dma_semaphore, #tpu.memory_space<semaphore_mem>>)
      } else {
      }
      %mul3A_132 = arith.constant 3 : i32
      %mul3A_133 = arith.muli %add3A_107, %mul3A_132 : i32
      %add3A_134 = arith.constant 1 : i32
      %add3A_135 = arith.addi %mul3A_133, %add3A_134 : i32
      %dma_wait3A_136 = arith.constant 0 : i32
      %dma_wait3A_137 = tpu.memref_slice %arg8[%add3A_135, %dma_wait3A_136] : memref<125x80xi32, #tpu.memory_space<vmem>> -> memref<1x80xi32, #tpu.memory_space<vmem>>
      %dma_wait3A_138 = tpu.memref_squeeze %dma_wait3A_137 : memref<1x80xi32, #tpu.memory_space<vmem>> -> memref<80xi32, #tpu.memory_space<vmem>>
      %dma_wait3A_139 = arith.constant 0 : i32
      %dma_wait3A_140 = arith.constant 0 : i32
      %dma_wait3A_141 = tpu.memref_slice %arg2[%dma_wait3A_139, %dma_wait3A_140] : memref<10000x128xf32, #tpu.memory_space<hbm>> -> memref<10000x128xf32, #tpu.memory_space<hbm>>
      tpu.wait_indirect_dma semaphore(%arg14 : memref<!tpu.dma_semaphore, #tpu.memory_space<semaphore_mem>>) src(%dma_wait3A_141 : memref<10000x128xf32, #tpu.memory_space<hbm>>) dst(%arg11 : memref<80x128xf32, #tpu.memory_space<vmem>>)
      %dma_start3A_142 = arith.constant 0 : i32
      %dma_start3A_143 = tpu.memref_slice %arg9[%add3A_135, %dma_start3A_142] : memref<125x80xi32, #tpu.memory_space<vmem>> -> memref<1x80xi32, #tpu.memory_space<vmem>>
      %dma_start3A_144 = tpu.memref_squeeze %dma_start3A_143 : memref<1x80xi32, #tpu.memory_space<vmem>> -> memref<80xi32, #tpu.memory_space<vmem>>
      %dma_start3A_145 = arith.constant 0 : i32
      %dma_start3A_146 = arith.constant 0 : i32
      %dma_start3A_147 = tpu.memref_slice %arg7[%dma_start3A_145, %dma_start3A_146] : memref<10000x128xf32, #tpu.memory_space<vmem_shared>> -> memref<10000x128xf32, #tpu.memory_space<vmem_shared>>
      tpu.enqueue_indirect_dma source(%arg11 : memref<80x128xf32, #tpu.memory_space<vmem>>) target(%dma_start3A_147 : memref<10000x128xf32, #tpu.memory_space<vmem_shared>>) offsets(%dma_start3A_144 : memref<80xi32, #tpu.memory_space<vmem>>) semaphore(%arg17 : memref<!tpu.dma_semaphore, #tpu.memory_space<semaphore_mem>>) {add = true}
      %ge3A_148 = arith.constant 1 : i32
      %ge3A_149 = arith.cmpi sge, %add3A_135, %ge3A_148 : i32
      %convert_element_type3A_150 = arith.extui %ge3A_149 : i1 to i32
      %cond3A_151 = arith.constant 0 : i32
      %cond3A_152 = arith.cmpi ne, %convert_element_type3A_150, %cond3A_151 : i32
      scf.if %cond3A_152 {
        %sub3A = arith.constant 1 : i32
        %sub3A_188 = arith.subi %add3A_135, %sub3A : i32
        %dma_wait3A_189 = arith.constant 0 : i32
        %dma_wait3A_190 = tpu.memref_slice %arg9[%sub3A_188, %dma_wait3A_189] : memref<125x80xi32, #tpu.memory_space<vmem>> -> memref<1x80xi32, #tpu.memory_space<vmem>>
        %dma_wait3A_191 = tpu.memref_squeeze %dma_wait3A_190 : memref<1x80xi32, #tpu.memory_space<vmem>> -> memref<80xi32, #tpu.memory_space<vmem>>
        %dma_wait3A_192 = arith.constant 0 : i32
        %dma_wait3A_193 = arith.constant 0 : i32
        %dma_wait3A_194 = tpu.memref_slice %arg7[%dma_wait3A_192, %dma_wait3A_193] : memref<10000x128xf32, #tpu.memory_space<vmem_shared>> -> memref<10000x128xf32, #tpu.memory_space<vmem_shared>>
        tpu.wait_indirect_dma semaphore(%arg16 : memref<!tpu.dma_semaphore, #tpu.memory_space<semaphore_mem>>) src(%arg10 : memref<80x128xf32, #tpu.memory_space<vmem>>) dst(%dma_wait3A_194 : memref<10000x128xf32, #tpu.memory_space<vmem_shared>>)
      } else {
      }
      %add3A_153 = arith.constant 2 : i32
      %add3A_154 = arith.addi %add3A_135, %add3A_153 : i32
      %lt3A_155 = arith.constant 125 : i32
      %lt3A_156 = arith.cmpi slt, %add3A_154, %lt3A_155 : i32
      %convert_element_type3A_157 = arith.extui %lt3A_156 : i1 to i32
      %cond3A_158 = arith.constant 0 : i32
      %cond3A_159 = arith.cmpi ne, %convert_element_type3A_157, %cond3A_158 : i32
      scf.if %cond3A_159 {
        %add3A_188 = arith.constant 2 : i32
        %add3A_189 = arith.addi %add3A_135, %add3A_188 : i32
        %dma_start3A_190 = arith.constant 0 : i32
        %dma_start3A_191 = tpu.memref_slice %arg8[%add3A_189, %dma_start3A_190] : memref<125x80xi32, #tpu.memory_space<vmem>> -> memref<1x80xi32, #tpu.memory_space<vmem>>
        %dma_start3A_192 = tpu.memref_squeeze %dma_start3A_191 : memref<1x80xi32, #tpu.memory_space<vmem>> -> memref<80xi32, #tpu.memory_space<vmem>>
        %dma_start3A_193 = arith.constant 0 : i32
        %dma_start3A_194 = arith.constant 0 : i32
        %dma_start3A_195 = tpu.memref_slice %arg2[%dma_start3A_193, %dma_start3A_194] : memref<10000x128xf32, #tpu.memory_space<hbm>> -> memref<10000x128xf32, #tpu.memory_space<hbm>>
        tpu.enqueue_indirect_dma source(%dma_start3A_195 : memref<10000x128xf32, #tpu.memory_space<hbm>>) target(%arg10 : memref<80x128xf32, #tpu.memory_space<vmem>>) offsets(%dma_start3A_192 : memref<80xi32, #tpu.memory_space<vmem>>) semaphore(%arg13 : memref<!tpu.dma_semaphore, #tpu.memory_space<semaphore_mem>>)
      } else {
      }
      %mul3A_160 = arith.constant 3 : i32
      %mul3A_161 = arith.muli %add3A_107, %mul3A_160 : i32
      %add3A_162 = arith.constant 2 : i32
      %add3A_163 = arith.addi %mul3A_161, %add3A_162 : i32
      %dma_wait3A_164 = arith.constant 0 : i32
      %dma_wait3A_165 = tpu.memref_slice %arg8[%add3A_163, %dma_wait3A_164] : memref<125x80xi32, #tpu.memory_space<vmem>> -> memref<1x80xi32, #tpu.memory_space<vmem>>
      %dma_wait3A_166 = tpu.memref_squeeze %dma_wait3A_165 : memref<1x80xi32, #tpu.memory_space<vmem>> -> memref<80xi32, #tpu.memory_space<vmem>>
      %dma_wait3A_167 = arith.constant 0 : i32
      %dma_wait3A_168 = arith.constant 0 : i32
      %dma_wait3A_169 = tpu.memref_slice %arg2[%dma_wait3A_167, %dma_wait3A_168] : memref<10000x128xf32, #tpu.memory_space<hbm>> -> memref<10000x128xf32, #tpu.memory_space<hbm>>
      tpu.wait_indirect_dma semaphore(%arg15 : memref<!tpu.dma_semaphore, #tpu.memory_space<semaphore_mem>>) src(%dma_wait3A_169 : memref<10000x128xf32, #tpu.memory_space<hbm>>) dst(%arg12 : memref<80x128xf32, #tpu.memory_space<vmem>>)
      %dma_start3A_170 = arith.constant 0 : i32
      %dma_start3A_171 = tpu.memref_slice %arg9[%add3A_163, %dma_start3A_170] : memref<125x80xi32, #tpu.memory_space<vmem>> -> memref<1x80xi32, #tpu.memory_space<vmem>>
      %dma_start3A_172 = tpu.memref_squeeze %dma_start3A_171 : memref<1x80xi32, #tpu.memory_space<vmem>> -> memref<80xi32, #tpu.memory_space<vmem>>
      %dma_start3A_173 = arith.constant 0 : i32
      %dma_start3A_174 = arith.constant 0 : i32
      %dma_start3A_175 = tpu.memref_slice %arg7[%dma_start3A_173, %dma_start3A_174] : memref<10000x128xf32, #tpu.memory_space<vmem_shared>> -> memref<10000x128xf32, #tpu.memory_space<vmem_shared>>
      tpu.enqueue_indirect_dma source(%arg12 : memref<80x128xf32, #tpu.memory_space<vmem>>) target(%dma_start3A_175 : memref<10000x128xf32, #tpu.memory_space<vmem_shared>>) offsets(%dma_start3A_172 : memref<80xi32, #tpu.memory_space<vmem>>) semaphore(%arg18 : memref<!tpu.dma_semaphore, #tpu.memory_space<semaphore_mem>>) {add = true}
      %ge3A_176 = arith.constant 1 : i32
      %ge3A_177 = arith.cmpi sge, %add3A_163, %ge3A_176 : i32
      %convert_element_type3A_178 = arith.extui %ge3A_177 : i1 to i32
      %cond3A_179 = arith.constant 0 : i32
      %cond3A_180 = arith.cmpi ne, %convert_element_type3A_178, %cond3A_179 : i32
      scf.if %cond3A_180 {
        %sub3A = arith.constant 1 : i32
        %sub3A_188 = arith.subi %add3A_163, %sub3A : i32
        %dma_wait3A_189 = arith.constant 0 : i32
        %dma_wait3A_190 = tpu.memref_slice %arg9[%sub3A_188, %dma_wait3A_189] : memref<125x80xi32, #tpu.memory_space<vmem>> -> memref<1x80xi32, #tpu.memory_space<vmem>>
        %dma_wait3A_191 = tpu.memref_squeeze %dma_wait3A_190 : memref<1x80xi32, #tpu.memory_space<vmem>> -> memref<80xi32, #tpu.memory_space<vmem>>
        %dma_wait3A_192 = arith.constant 0 : i32
        %dma_wait3A_193 = arith.constant 0 : i32
        %dma_wait3A_194 = tpu.memref_slice %arg7[%dma_wait3A_192, %dma_wait3A_193] : memref<10000x128xf32, #tpu.memory_space<vmem_shared>> -> memref<10000x128xf32, #tpu.memory_space<vmem_shared>>
        tpu.wait_indirect_dma semaphore(%arg17 : memref<!tpu.dma_semaphore, #tpu.memory_space<semaphore_mem>>) src(%arg11 : memref<80x128xf32, #tpu.memory_space<vmem>>) dst(%dma_wait3A_194 : memref<10000x128xf32, #tpu.memory_space<vmem_shared>>)
      } else {
      }
      %add3A_181 = arith.constant 2 : i32
      %add3A_182 = arith.addi %add3A_163, %add3A_181 : i32
      %lt3A_183 = arith.constant 125 : i32
      %lt3A_184 = arith.cmpi slt, %add3A_182, %lt3A_183 : i32
      %convert_element_type3A_185 = arith.extui %lt3A_184 : i1 to i32
      %cond3A_186 = arith.constant 0 : i32
      %cond3A_187 = arith.cmpi ne, %convert_element_type3A_185, %cond3A_186 : i32
      scf.if %cond3A_187 {
        %add3A_188 = arith.constant 2 : i32
        %add3A_189 = arith.addi %add3A_163, %add3A_188 : i32
        %dma_start3A_190 = arith.constant 0 : i32
        %dma_start3A_191 = tpu.memref_slice %arg8[%add3A_189, %dma_start3A_190] : memref<125x80xi32, #tpu.memory_space<vmem>> -> memref<1x80xi32, #tpu.memory_space<vmem>>
        %dma_start3A_192 = tpu.memref_squeeze %dma_start3A_191 : memref<1x80xi32, #tpu.memory_space<vmem>> -> memref<80xi32, #tpu.memory_space<vmem>>
        %dma_start3A_193 = arith.constant 0 : i32
        %dma_start3A_194 = arith.constant 0 : i32
        %dma_start3A_195 = tpu.memref_slice %arg2[%dma_start3A_193, %dma_start3A_194] : memref<10000x128xf32, #tpu.memory_space<hbm>> -> memref<10000x128xf32, #tpu.memory_space<hbm>>
        tpu.enqueue_indirect_dma source(%dma_start3A_195 : memref<10000x128xf32, #tpu.memory_space<hbm>>) target(%arg11 : memref<80x128xf32, #tpu.memory_space<vmem>>) offsets(%dma_start3A_192 : memref<80xi32, #tpu.memory_space<vmem>>) semaphore(%arg14 : memref<!tpu.dma_semaphore, #tpu.memory_space<semaphore_mem>>)
      } else {
      }
    }
    %scan3A_49 = arith.constant 41 : i32
    %dma_wait3A = arith.constant 123 : i32
    %dma_wait3A_50 = arith.constant 0 : i32
    %dma_wait3A_51 = tpu.memref_slice %arg8[%dma_wait3A, %dma_wait3A_50] : memref<125x80xi32, #tpu.memory_space<vmem>> -> memref<1x80xi32, #tpu.memory_space<vmem>>
    %dma_wait3A_52 = tpu.memref_squeeze %dma_wait3A_51 : memref<1x80xi32, #tpu.memory_space<vmem>> -> memref<80xi32, #tpu.memory_space<vmem>>
    %dma_wait3A_53 = arith.constant 0 : i32
    %dma_wait3A_54 = arith.constant 0 : i32
    %dma_wait3A_55 = tpu.memref_slice %arg2[%dma_wait3A_53, %dma_wait3A_54] : memref<10000x128xf32, #tpu.memory_space<hbm>> -> memref<10000x128xf32, #tpu.memory_space<hbm>>
    tpu.wait_indirect_dma semaphore(%arg13 : memref<!tpu.dma_semaphore, #tpu.memory_space<semaphore_mem>>) src(%dma_wait3A_55 : memref<10000x128xf32, #tpu.memory_space<hbm>>) dst(%arg10 : memref<80x128xf32, #tpu.memory_space<vmem>>)
    %dma_start3A_56 = arith.constant 123 : i32
    %dma_start3A_57 = arith.constant 0 : i32
    %dma_start3A_58 = tpu.memref_slice %arg9[%dma_start3A_56, %dma_start3A_57] : memref<125x80xi32, #tpu.memory_space<vmem>> -> memref<1x80xi32, #tpu.memory_space<vmem>>
    %dma_start3A_59 = tpu.memref_squeeze %dma_start3A_58 : memref<1x80xi32, #tpu.memory_space<vmem>> -> memref<80xi32, #tpu.memory_space<vmem>>
    %dma_start3A_60 = arith.constant 0 : i32
    %dma_start3A_61 = arith.constant 0 : i32
    %dma_start3A_62 = tpu.memref_slice %arg7[%dma_start3A_60, %dma_start3A_61] : memref<10000x128xf32, #tpu.memory_space<vmem_shared>> -> memref<10000x128xf32, #tpu.memory_space<vmem_shared>>
    tpu.enqueue_indirect_dma source(%arg10 : memref<80x128xf32, #tpu.memory_space<vmem>>) target(%dma_start3A_62 : memref<10000x128xf32, #tpu.memory_space<vmem_shared>>) offsets(%dma_start3A_59 : memref<80xi32, #tpu.memory_space<vmem>>) semaphore(%arg16 : memref<!tpu.dma_semaphore, #tpu.memory_space<semaphore_mem>>) {add = true}
    %dma_wait3A_63 = arith.constant 122 : i32
    %dma_wait3A_64 = arith.constant 0 : i32
    %dma_wait3A_65 = tpu.memref_slice %arg9[%dma_wait3A_63, %dma_wait3A_64] : memref<125x80xi32, #tpu.memory_space<vmem>> -> memref<1x80xi32, #tpu.memory_space<vmem>>
    %dma_wait3A_66 = tpu.memref_squeeze %dma_wait3A_65 : memref<1x80xi32, #tpu.memory_space<vmem>> -> memref<80xi32, #tpu.memory_space<vmem>>
    %dma_wait3A_67 = arith.constant 0 : i32
    %dma_wait3A_68 = arith.constant 0 : i32
    %dma_wait3A_69 = tpu.memref_slice %arg7[%dma_wait3A_67, %dma_wait3A_68] : memref<10000x128xf32, #tpu.memory_space<vmem_shared>> -> memref<10000x128xf32, #tpu.memory_space<vmem_shared>>
    tpu.wait_indirect_dma semaphore(%arg18 : memref<!tpu.dma_semaphore, #tpu.memory_space<semaphore_mem>>) src(%arg12 : memref<80x128xf32, #tpu.memory_space<vmem>>) dst(%dma_wait3A_69 : memref<10000x128xf32, #tpu.memory_space<vmem_shared>>)
    %dma_wait3A_70 = arith.constant 124 : i32
    %dma_wait3A_71 = arith.constant 0 : i32
    %dma_wait3A_72 = tpu.memref_slice %arg8[%dma_wait3A_70, %dma_wait3A_71] : memref<125x80xi32, #tpu.memory_space<vmem>> -> memref<1x80xi32, #tpu.memory_space<vmem>>
    %dma_wait3A_73 = tpu.memref_squeeze %dma_wait3A_72 : memref<1x80xi32, #tpu.memory_space<vmem>> -> memref<80xi32, #tpu.memory_space<vmem>>
    %dma_wait3A_74 = arith.constant 0 : i32
    %dma_wait3A_75 = arith.constant 0 : i32
    %dma_wait3A_76 = tpu.memref_slice %arg2[%dma_wait3A_74, %dma_wait3A_75] : memref<10000x128xf32, #tpu.memory_space<hbm>> -> memref<10000x128xf32, #tpu.memory_space<hbm>>
    tpu.wait_indirect_dma semaphore(%arg14 : memref<!tpu.dma_semaphore, #tpu.memory_space<semaphore_mem>>) src(%dma_wait3A_76 : memref<10000x128xf32, #tpu.memory_space<hbm>>) dst(%arg11 : memref<80x128xf32, #tpu.memory_space<vmem>>)
    %dma_start3A_77 = arith.constant 124 : i32
    %dma_start3A_78 = arith.constant 0 : i32
    %dma_start3A_79 = tpu.memref_slice %arg9[%dma_start3A_77, %dma_start3A_78] : memref<125x80xi32, #tpu.memory_space<vmem>> -> memref<1x80xi32, #tpu.memory_space<vmem>>
    %dma_start3A_80 = tpu.memref_squeeze %dma_start3A_79 : memref<1x80xi32, #tpu.memory_space<vmem>> -> memref<80xi32, #tpu.memory_space<vmem>>
    %dma_start3A_81 = arith.constant 0 : i32
    %dma_start3A_82 = arith.constant 0 : i32
    %dma_start3A_83 = tpu.memref_slice %arg7[%dma_start3A_81, %dma_start3A_82] : memref<10000x128xf32, #tpu.memory_space<vmem_shared>> -> memref<10000x128xf32, #tpu.memory_space<vmem_shared>>
    tpu.enqueue_indirect_dma source(%arg11 : memref<80x128xf32, #tpu.memory_space<vmem>>) target(%dma_start3A_83 : memref<10000x128xf32, #tpu.memory_space<vmem_shared>>) offsets(%dma_start3A_80 : memref<80xi32, #tpu.memory_space<vmem>>) semaphore(%arg17 : memref<!tpu.dma_semaphore, #tpu.memory_space<semaphore_mem>>) {add = true}
    %dma_wait3A_84 = arith.constant 123 : i32
    %dma_wait3A_85 = arith.constant 0 : i32
    %dma_wait3A_86 = tpu.memref_slice %arg9[%dma_wait3A_84, %dma_wait3A_85] : memref<125x80xi32, #tpu.memory_space<vmem>> -> memref<1x80xi32, #tpu.memory_space<vmem>>
    %dma_wait3A_87 = tpu.memref_squeeze %dma_wait3A_86 : memref<1x80xi32, #tpu.memory_space<vmem>> -> memref<80xi32, #tpu.memory_space<vmem>>
    %dma_wait3A_88 = arith.constant 0 : i32
    %dma_wait3A_89 = arith.constant 0 : i32
    %dma_wait3A_90 = tpu.memref_slice %arg7[%dma_wait3A_88, %dma_wait3A_89] : memref<10000x128xf32, #tpu.memory_space<vmem_shared>> -> memref<10000x128xf32, #tpu.memory_space<vmem_shared>>
    tpu.wait_indirect_dma semaphore(%arg16 : memref<!tpu.dma_semaphore, #tpu.memory_space<semaphore_mem>>) src(%arg10 : memref<80x128xf32, #tpu.memory_space<vmem>>) dst(%dma_wait3A_90 : memref<10000x128xf32, #tpu.memory_space<vmem_shared>>)
    %dma_wait3A_91 = arith.constant 124 : i32
    %dma_wait3A_92 = arith.constant 0 : i32
    %dma_wait3A_93 = tpu.memref_slice %arg9[%dma_wait3A_91, %dma_wait3A_92] : memref<125x80xi32, #tpu.memory_space<vmem>> -> memref<1x80xi32, #tpu.memory_space<vmem>>
    %dma_wait3A_94 = tpu.memref_squeeze %dma_wait3A_93 : memref<1x80xi32, #tpu.memory_space<vmem>> -> memref<80xi32, #tpu.memory_space<vmem>>
    %dma_wait3A_95 = arith.constant 0 : i32
    %dma_wait3A_96 = arith.constant 0 : i32
    %dma_wait3A_97 = tpu.memref_slice %arg7[%dma_wait3A_95, %dma_wait3A_96] : memref<10000x128xf32, #tpu.memory_space<vmem_shared>> -> memref<10000x128xf32, #tpu.memory_space<vmem_shared>>
    tpu.wait_indirect_dma semaphore(%arg17 : memref<!tpu.dma_semaphore, #tpu.memory_space<semaphore_mem>>) src(%arg11 : memref<80x128xf32, #tpu.memory_space<vmem>>) dst(%dma_wait3A_97 : memref<10000x128xf32, #tpu.memory_space<vmem_shared>>)
    %barrier3A_98 = arith.constant 0 : index
    tpu.barrier barrier_id(%barrier3A_98)
    %mul3A_99 = arith.constant 625 : i32
    %mul3A_100 = arith.muli %arg1, %mul3A_99 : i32
    %mul3A_101 = arith.constant 625 : i32
    %mul3A_102 = arith.muli %arg1, %mul3A_101 : i32
    "tpu.region"() ({
      %run_scoped3A = tpu.sem_alloc : memref<!tpu.dma_semaphore, #tpu.memory_space<semaphore_mem>>
      %dma_start3A_103 = arith.constant 0 : i32
      %dma_start3A_104 = tpu.memref_slice %arg6[%arg0, %mul3A_102, %dma_start3A_103] : memref<2x10000x128xf32, #tpu.memory_space<hbm>> -> memref<1x625x128xf32, #tpu.memory_space<hbm>>
      %dma_start3A_105 = tpu.memref_squeeze %dma_start3A_104 : memref<1x625x128xf32, #tpu.memory_space<hbm>> -> memref<625x128xf32, #tpu.memory_space<hbm>>
      %dma_start3A_106 = arith.constant 0 : i32
      %dma_start3A_107 = tpu.memref_slice %arg7[%mul3A_100, %dma_start3A_106] : memref<10000x128xf32, #tpu.memory_space<vmem_shared>> -> memref<625x128xf32, #tpu.memory_space<vmem_shared>>
      tpu.enqueue_dma source(%dma_start3A_107 : memref<625x128xf32, #tpu.memory_space<vmem_shared>>) target(%dma_start3A_105 : memref<625x128xf32, #tpu.memory_space<hbm>>) target_semaphore(%run_scoped3A : memref<!tpu.dma_semaphore, #tpu.memory_space<semaphore_mem>>)
      %dma_wait3A_108 = arith.constant 0 : i32
      %dma_wait3A_109 = tpu.memref_slice %arg6[%arg0, %mul3A_102, %dma_wait3A_108] : memref<2x10000x128xf32, #tpu.memory_space<hbm>> -> memref<1x625x128xf32, #tpu.memory_space<hbm>>
      %dma_wait3A_110 = tpu.memref_squeeze %dma_wait3A_109 : memref<1x625x128xf32, #tpu.memory_space<hbm>> -> memref<625x128xf32, #tpu.memory_space<hbm>>
      %dma_wait3A_111 = arith.constant 0 : i32
      %dma_wait3A_112 = tpu.memref_slice %arg7[%mul3A_100, %dma_wait3A_111] : memref<10000x128xf32, #tpu.memory_space<vmem_shared>> -> memref<625x128xf32, #tpu.memory_space<vmem_shared>>
      tpu.wait_dma2 semaphore(%run_scoped3A : memref<!tpu.dma_semaphore, #tpu.memory_space<semaphore_mem>>) src(%dma_wait3A_112 : memref<625x128xf32, #tpu.memory_space<vmem_shared>>) dst(%dma_wait3A_110 : memref<625x128xf32, #tpu.memory_space<hbm>>)
      tpu.yield
    }) : () -> ()
    return
  }
}

module attributes {stable_mosaic.version = 14 : i64} {
  func.func @_mlp_body(%arg0: i32, %arg1: memref<2000x128xf32, #tpu.memory_space<vmem>>, %arg2: memref<2x2000x128xf32, #tpu.memory_space<vmem>>, %arg3: memref<128x128xf32, #tpu.memory_space<vmem>>, %arg4: memref<128xf32, #tpu.memory_space<vmem>>, %arg5: memref<128x128xf32, #tpu.memory_space<vmem>>, %arg6: memref<128xf32, #tpu.memory_space<vmem>>, %arg7: memref<2000x128xf32, #tpu.memory_space<vmem>>) attributes {dimension_semantics = [#tpu.dimension_semantics<arbitrary>], iteration_bounds = array<i64: 5>, scalar_prefetch = 0 : i64, scratch_operands = 0 : i64, tpu.core_type = #tpu.core_type<tc>, window_params = [{transform_indices = @transform_0, window_bounds = array<i64: 2000, 128>}, {transform_indices = @transform_1, window_bounds = array<i64: 2, 2000, 128>}, {pipeline_mode = #tpu.pipeline_mode<synchronous>, transform_indices = @transform_2, window_bounds = array<i64: 128, 128>}, {pipeline_mode = #tpu.pipeline_mode<synchronous>, transform_indices = @transform_3, window_bounds = array<i64: 128>}, {pipeline_mode = #tpu.pipeline_mode<synchronous>, transform_indices = @transform_4, window_bounds = array<i64: 128, 128>}, {pipeline_mode = #tpu.pipeline_mode<synchronous>, transform_indices = @transform_5, window_bounds = array<i64: 128>}, {transform_indices = @transform_6, window_bounds = array<i64: 2000, 128>}]} {
    %get3A = arith.constant 0 : index
    %get3A_0 = arith.constant 0 : index
    %get3A_1 = vector.load %arg1[%get3A, %get3A_0] : memref<2000x128xf32, #tpu.memory_space<vmem>>, vector<2000x128xf32>
    %get3A_2 = arith.constant 0 : index
    %get3A_3 = arith.constant 0 : index
    %get3A_4 = arith.constant 0 : index
    %get3A_5 = vector.load %arg2[%get3A_2, %get3A_3, %get3A_4] : memref<2x2000x128xf32, #tpu.memory_space<vmem>>, vector<1x2000x128xf32>
    %get3A_6 = vector.shape_cast %get3A_5 : vector<1x2000x128xf32> to vector<2000x128xf32>
    %add3A = arith.addf %get3A_1, %get3A_6 : vector<2000x128xf32>
    %get3A_7 = arith.constant 1 : index
    %get3A_8 = arith.constant 0 : index
    %get3A_9 = arith.constant 0 : index
    %get3A_10 = vector.load %arg2[%get3A_7, %get3A_8, %get3A_9] : memref<2x2000x128xf32, #tpu.memory_space<vmem>>, vector<1x2000x128xf32>
    %get3A_11 = vector.shape_cast %get3A_10 : vector<1x2000x128xf32> to vector<2000x128xf32>
    %add3A_12 = arith.addf %add3A, %get3A_11 : vector<2000x128xf32>
    %get3A_13 = arith.constant 0 : index
    %get3A_14 = arith.constant 0 : index
    %get3A_15 = vector.load %arg3[%get3A_13, %get3A_14] : memref<128x128xf32, #tpu.memory_space<vmem>>, vector<128x128xf32>
    %dot_general3A = arith.constant dense<0.000000e+00> : vector<2000x128xf32>
    %dot_general3A_16 = tpu.matmul %add3A_12, %get3A_15, %dot_general3A {dimension_numbers = #tpu.dot_dimension_numbers<[1], [0], [0], [1], [0, 0, 1, 1], [], []>, transpose_lhs_hint = false} : vector<2000x128xf32>, vector<128x128xf32>, vector<2000x128xf32> -> vector<2000x128xf32>
    %get3A_17 = arith.constant 0 : index
    %get3A_18 = vector.load %arg4[%get3A_17] : memref<128xf32, #tpu.memory_space<vmem>>, vector<128xf32>
    %broadcast_in_dim3A = vector.shape_cast %get3A_18 : vector<128xf32> to vector<1x128xf32>
    %add3A_19 = vector.broadcast %broadcast_in_dim3A : vector<1x128xf32> to vector<2000x128xf32>
    %add3A_20 = arith.addf %dot_general3A_16, %add3A_19 : vector<2000x128xf32>
    %max3A = arith.constant 0.000000e+00 : f32
    %max3A_21 = vector.broadcast %max3A : f32 to vector<2000x128xf32>
    %max3A_22 = arith.maximumf %add3A_20, %max3A_21 : vector<2000x128xf32>
    %get3A_23 = arith.constant 0 : index
    %get3A_24 = arith.constant 0 : index
    %get3A_25 = vector.load %arg5[%get3A_23, %get3A_24] : memref<128x128xf32, #tpu.memory_space<vmem>>, vector<128x128xf32>
    %dot_general3A_26 = arith.constant dense<0.000000e+00> : vector<2000x128xf32>
    %dot_general3A_27 = tpu.matmul %max3A_22, %get3A_25, %dot_general3A_26 {dimension_numbers = #tpu.dot_dimension_numbers<[1], [0], [0], [1], [0, 0, 1, 1], [], []>, transpose_lhs_hint = false} : vector<2000x128xf32>, vector<128x128xf32>, vector<2000x128xf32> -> vector<2000x128xf32>
    %get3A_28 = arith.constant 0 : index
    %get3A_29 = vector.load %arg6[%get3A_28] : memref<128xf32, #tpu.memory_space<vmem>>, vector<128xf32>
    %broadcast_in_dim3A_30 = vector.shape_cast %get3A_29 : vector<128xf32> to vector<1x128xf32>
    %add3A_31 = vector.broadcast %broadcast_in_dim3A_30 : vector<1x128xf32> to vector<2000x128xf32>
    %add3A_32 = arith.addf %dot_general3A_27, %add3A_31 : vector<2000x128xf32>
    %max3A_33 = arith.constant 0.000000e+00 : f32
    %max3A_34 = vector.broadcast %max3A_33 : f32 to vector<2000x128xf32>
    %max3A_35 = arith.maximumf %add3A_32, %max3A_34 : vector<2000x128xf32>
    %swap3A = arith.constant 0 : index
    %swap3A_36 = arith.constant 0 : index
    %swap3A_37 = vector.load %arg7[%swap3A, %swap3A_36] : memref<2000x128xf32, #tpu.memory_space<vmem>>, vector<2000x128xf32>
    tpu.vector_store %arg7[%swap3A, %swap3A_36], %max3A_35 {strides = array<i32>} : memref<2000x128xf32, #tpu.memory_space<vmem>>, vector<2000x128xf32>,
    return
  }
  func.func @transform_0(%arg0: i32) -> (i32, i32) {
    %c0_i32 = arith.constant 0 : i32
    %c0_i32_0 = arith.constant 0 : i32
    return %arg0, %c0_i32 : i32, i32
  }
  func.func @transform_1(%arg0: i32) -> (i32, i32, i32) {
    %c0_i32 = arith.constant 0 : i32
    %c0_i32_0 = arith.constant 0 : i32
    %c0_i32_1 = arith.constant 0 : i32
    return %c0_i32, %arg0, %c0_i32_0 : i32, i32, i32
  }
  func.func @transform_2(%arg0: i32) -> (i32, i32) {
    %c0_i32 = arith.constant 0 : i32
    %c0_i32_0 = arith.constant 0 : i32
    %c0_i32_1 = arith.constant 0 : i32
    return %c0_i32, %c0_i32_0 : i32, i32
  }
  func.func @transform_3(%arg0: i32) -> i32 {
    %c0_i32 = arith.constant 0 : i32
    %c0_i32_0 = arith.constant 0 : i32
    return %c0_i32 : i32
  }
  func.func @transform_4(%arg0: i32) -> (i32, i32) {
    %c0_i32 = arith.constant 0 : i32
    %c0_i32_0 = arith.constant 0 : i32
    %c0_i32_1 = arith.constant 0 : i32
    return %c0_i32, %c0_i32_0 : i32, i32
  }
  func.func @transform_5(%arg0: i32) -> i32 {
    %c0_i32 = arith.constant 0 : i32
    %c0_i32_0 = arith.constant 0 : i32
    return %c0_i32 : i32
  }
  func.func @transform_6(%arg0: i32) -> (i32, i32) {
    %c0_i32 = arith.constant 0 : i32
    %c0_i32_0 = arith.constant 0 : i32
    return %arg0, %c0_i32 : i32, i32
  }
}

</mosaic_0001>

<sc_bundles>
// kernel: kernel.4.cloned.1.call-start
scs
__scs_entry_jumppad:
0x0: {  	(pc) =	sbr.rel $0x88, $3  }
0x1: {  	(tag) =	ssettag $0x0;
	lr =	simm.s32 $0x1  }
0x2: {  	[smem:$0x3F9A] =	sst lr;
	_ =	strace $0xD0000000  }
0x3: {  	_ = 	snop  }
0x4: {  	_ = 	snop  }
0x5: {  	_ = 	snop  }
0x6: {  	_ = 	snop  }
0x7: {  	_ = 	snop  }
__scs_overlays_trampoline_lowered:
0x8: {  	[smem:$0x3FA9] =	sst s0  }
0x9: {  	[smem:$0x3FAA] =	sst s1  }
0xa: {  	[smem:$0x3FAB] =	sst s2  }
0xb: {  	[smem:$0x3FAC] =	sst s3  }
0xc: {  	[smem:$0x3FAD] =	sst s4  }
0xd: {  	[smem:$0x3FAE] =	sst s5  }
0xe: {  	[smem:$0x3FAF] =	sst s6  }
0xf: {  	[smem:$0x3FB0] =	sst s7  }
0x10: {  	[smem:$0x3FB1] =	sst s8  }
0x11: {  	[smem:$0x3FB2] =	sst s9;
	s0 =	simm.s32 @!p0 $0x0  }
0x12: {  	s1 =	sld [smem:$0x3F98];
	s0 =	simm.s32 @p0 $0x1  }
0x13: {  	[smem:$0x3FB3] =	sst s0;
	s0 =	simm.s32 @!p1 $0x0  }
0x14: {  	s2 =	sld [smem:$0x3F97];
	s0 =	simm.s32 @p1 $0x1  }
0x15: {  	[smem:$0x3FB4] =	sst s0;
	s0 =	simm.s32 @!p2 $0x0  }
0x16: {  	s3 =	sld [smem:$0x3FDB];
	s0 =	simm.s32 @p2 $0x1  }
0x17: {  	s4 =	simm.s32 $0x1BF5;
	[smem:$0x3FB6] =	sst s0  }
0x18: {  	s0 =	sld [smem:$0x3F99];
	_ =	swait.ge [sflag:s4], $0x0  }
0x19: {  	s7 =	sld [smem:$0x3F9A]  }
0x1a: {  	s8 =	sadd.s32 $0xFFFFE003, lr  }
0x1b: {  	s9 =	sadd.s32 $0xFFFFFEF7, lr;
	s5 =	simm.s32 $0xFFFFFFFF;
	p2 =	slt.u32 s8, $0xFFFFF086  }
0x1c: {  	p1 =	slt.u32 s9, $0xF7A;
	s5 =	simm.s32 @!p2 $0x0  }
0x1d: {  	s5 =	simm.s32 @p1 $0x1;
	p0 =	seq.s32 s7, s2  }
0x1e: {  	s7 =	smul.u32 @!p0 $0xF7A, s2;
	p2 =	seq.s32 @!p0 s5, $0x0  }
0x1f: {  	s9 =	smul.u32 $0xF7A, s1;
	s8 =	simm.s32 @!p0 $0x1BF5;
	p2 =	por !p2, p0  }
0x20: {  	[sflag:s8] =	ssyncset.s32 @!p0 $0xFFFFF086;
	s6 =	sadd.s32 @!p0 s3, s7;
	s7 =	simm.s32 @!p0 $0x108  }
0x21: {  	s3 =	sadd.s32 s3, s9;
	s6 =	sadd.s32 @!p0 $0x88, s6;
	s7 =	simm.s32 @p2 $0x1082  }
0x22: {  	[simem:s7], [sflag:s8] =	dma.local @!p0 [hbm:s6], $0xF7A  }
0x23: {  	s9 =	sor.u32 $0xD0000000, s2;
	s6 =	simm.s32 $0x108;
	_ =	swait.ge @!p0 [sflag:s8], $0x0  }
0x24: {  	s3 =	sadd.s32 $0x88, s3;
	s6 =	simm.s32 @!p1 $0x1082;
	[sflag:s4] =	ssyncset.s32 $0xFFFFF086  }
0x25: {  	[simem:s6], [sflag:s4] =	dma.local [hbm:s3], $0xF7A  }
0x26: {  	[smem:$0x3F9A] =	sst s1;
	(tag) =	ssettag s2;
	_ =	strace s9  }
0x27: {  	s1 =	sld [smem:$0x3FAA]  }
0x28: {  	s2 =	sld [smem:$0x3FAB]  }
0x29: {  	s4 =	sld [smem:$0x3FAD]  }
0x2a: {  	p0 =	seq.s32 s5, $0x0;
	s5 =	sld [smem:$0x3FAE]  }
0x2b: {  	s6 =	sld [smem:$0x3FAF]  }
0x2c: {  	s7 =	sld [smem:$0x3FB0]  }
0x2d: {  	s3 =	simm.s32 $0x108;
	s8 =	sld [smem:$0x3FB1]  }
0x2e: {  	s3 =	simm.s32 @!p0 $0x1082;
	s9 =	sld [smem:$0x3FB2]  }
0x2f: {  	lr =	sadd.s32 s0, s3;
	s0 =	sld [smem:$0x3FA9]  }
0x30: {  	s3 =	sld [smem:$0x3FAC]  }
0x31: {  	[smem:$0x3FB5] =	sst s10  }
0x32: {  	s10 =	sld [smem:$0x3FB3];
	_ =	sdelay $0x3  }
0x33: {  	p0 =	seq.s32 s10, $0x1;
	s10 =	sld [smem:$0x3FB5];
	_ =	sdelay $0x3  }
0x34: {  	[smem:$0x3FB5] =	sst s10  }
0x35: {  	s10 =	sld [smem:$0x3FB4];
	_ =	sdelay $0x3  }
0x36: {  	p1 =	seq.s32 s10, $0x1;
	s10 =	sld [smem:$0x3FB5];
	_ =	sdelay $0x3  }
0x37: {  	[smem:$0x3FB5] =	sst s10  }
0x38: {  	s10 =	sld [smem:$0x3FB6]  }
0x39: {  	_ = 	snop;
	(pc) =	sbr.ind lr, $3  }
0x3a: {  	_ = 	snop  }
0x3b: {  	_ = 	snop  }
0x3c: {  	p2 =	seq.s32 s10, $0x1;
	s10 =	sld [smem:$0x3FB5]  }
0x3d: {  	_ =	shalt  }
0x3e: {  	_ =	shalt  }
0x3f: {  	_ =	shalt  }
0x40: {  	_ =	shalt  }
0x41: {  	_ =	shalt  }
0x42: {  	_ =	shalt  }
0x43: {  	_ =	shalt  }
0x44: {  	_ =	shalt  }
0x45: {  	_ =	shalt  }
0x46: {  	_ =	shalt  }
0x47: {  	_ =	shalt  }
0x48: {  	_ =	shalt  }
0x49: {  	_ =	shalt  }
0x4a: {  	_ =	shalt  }
0x4b: {  	_ =	shalt  }
0x4c: {  	_ =	shalt  }
0x4d: {  	_ =	shalt  }
0x4e: {  	_ =	shalt  }
0x4f: {  	_ =	shalt  }
0x50: {  	_ =	shalt  }
0x51: {  	_ =	shalt  }
0x52: {  	_ =	shalt  }
0x53: {  	_ =	shalt  }
0x54: {  	_ =	shalt  }
0x55: {  	_ =	shalt  }
0x56: {  	_ =	shalt  }
0x57: {  	_ =	shalt  }
0x58: {  	_ =	shalt  }
0x59: {  	_ =	shalt  }
0x5a: {  	_ =	shalt  }
0x5b: {  	_ =	shalt  }
0x5c: {  	_ =	shalt  }
0x5d: {  	_ =	shalt  }
0x5e: {  	_ =	shalt  }
0x5f: {  	_ =	shalt  }
0x60: {  	_ =	shalt  }
0x61: {  	_ =	shalt  }
0x62: {  	_ =	shalt  }
0x63: {  	_ =	shalt  }
0x64: {  	_ =	shalt  }
0x65: {  	_ =	shalt  }
0x66: {  	_ =	shalt  }
0x67: {  	_ =	shalt  }
0x68: {  	_ =	shalt  }
0x69: {  	_ =	shalt  }
0x6a: {  	_ =	shalt  }
0x6b: {  	_ =	shalt  }
0x6c: {  	_ =	shalt  }
0x6d: {  	_ =	shalt  }
0x6e: {  	_ =	shalt  }
0x6f: {  	_ =	shalt  }
0x70: {  	_ =	shalt  }
0x71: {  	_ =	shalt  }
0x72: {  	_ =	shalt  }
0x73: {  	_ =	shalt  }
0x74: {  	_ =	shalt  }
0x75: {  	_ =	shalt  }
0x76: {  	_ =	shalt  }
0x77: {  	_ =	shalt  }
0x78: {  	_ =	shalt  }
0x79: {  	_ =	shalt  }
0x7a: {  	_ =	shalt  }
0x7b: {  	_ =	shalt  }
0x7c: {  	_ =	shalt  }
0x7d: {  	_ =	shalt  }
0x7e: {  	_ =	shalt  }
0x7f: {  	_ =	shalt  }
0x80: {  	_ =	shalt  }
0x81: {  	_ =	shalt  }
0x82: {  	_ =	shalt  }
0x83: {  	_ =	shalt  }
0x84: {  	_ =	shalt  }
0x85: {  	_ =	shalt  }
0x86: {  	_ =	shalt  }
0x87: {  	_ =	shalt  }
.Lfunc_end0:
.L_simem_size_0:
called_computation_lowered:
.L_overlay_start_0:
0x88: {  	s2 =	sld [smem:$0x3FD9]  }
0x89: {  	s3 =	sld [smem:$0x3FFE];
	_ =	sdelay $0x1  }
0x8a: {  	s1 =	srdreg.scid  }
0x8b: {  	s0 =	sand.u32 $0x1, s1  }
0x8c: {  	s17 =	sshll.u32 s0, $0xA;
	s2 =	sadd.s32 s3, s2  }
0x8d: {  	s2 =	sadd.s32 s2, s17  }
0x8e: {  	[smem:$0x3FC1] =	sst s2  }
0x8f: {  	_ = 	snop  }
0x90: {  	s2 =	sld [smem:$0x3FC9]  }
0x91: {  	s18 =	sld [smem:$0x3FC8]  }
0x92: {  	s4 =	sld [smem:$0x3FC7]  }
0x93: {  	s5 =	sld [smem:$0x3FD0];
	(tm) =	ssettm $0x1  }
0x94: {  	s6 =	sld [smem:$0x3FFB];
	_ =	sdelay $0x3  }
0x95: {  	_ =	strace s6  }
0x96: {  	s6 =	sld [smem:$0x3FFC];
	_ =	sdelay $0x3  }
0x97: {  	_ =	strace s6  }
0x98: {  	s6 =	sld [smem:$0x3FFD];
	_ =	sdelay $0x3  }
0x99: {  	_ =	strace s6  }
0x9a: {  	_ =	strace $0x8FFFFFFF  }
0x9b: {  	s19 =	sld [smem:$0x3FDB];
	_ =	sdelay $0x1  }
0x9c: {  	s7 =	simm.s32 $_scs_section_size  }
0x9d: {  	s8 =	simm.s32 $_size__tile_overlayer_lowered;
	s9 =	simm.s32 $_tile_overlayer_lowered  }
0x9e: {  	s22 =	simm.s32 $0x1BFF;
	s21 =	sshll.u32 s9, $0x1;
	s6 =	sadd.s32 s7, s19  }
0x9f: {  	s10 =	simm.s32 $0x0;
	s20 =	sshll.u32 s8, $0x1;
	s8 =	sadd.s32 s21, s6  }
0xa0: {  	[timem:s10], [sflag:s22] =	dma.local [hbm:s8], s20  }
0xa1: {  	_ =	swait.ge [sflag:s22], s20  }
0xa2: {  	s7 =	ssub.s32 $0x0, s20;
	[sflag:s22] =	ssyncset.done $0x0  }
0xa3: {  	[sflag:s22] =	ssyncadd.s32 s7;
	_ =	sdelay $0x1  }
0xa4: {  	s23 =	simm.s32 $0x1B8B  }
0xa5: {  	_ =	swait.ge [sflag:s23], $0x1  }
0xa6: {  	[sflag:s23] =	ssyncset.done $0x0  }
0xa7: {  	s25 =	simm.s32 $0x1B8E;
	s24 =	sld [smem:$0x3FFE];
	[sflag:s23] =	ssyncadd.s32 $0xFFFFFFFF  }
0xa8: {  	s26 =	simm.s32 $execute0_lowered;
	[smem:$0x3FD2] =	sst s25  }
0xa9: {  	s8 =	sshll.u32 s26, $0x1;
	_ =	strace $0x80000046;
	[dreg:$0x1] =	wrdreg $0xFFFFFFFF  }
0xaa: {  	s28 =	simm.s32 $_size_execute0_lowered;
	s6 =	sadd.s32 s6, s8;
	[dreg:$0x0] =	wrdreg $0x0  }
0xab: {  	s8 =	sshll.u32 s28, $0x1;
	[dreg:$0x2] =	wrdreg s6  }
0xac: {  	[dreg:$0x3] =	wrdreg s8  }
0xad: {  	[dreg:$0x4] =	wrdreg $0xC0  }
0xae: {  	_ =	task [dreg:s10], $0x5FFFF  }
0xaf: {  	[dreg:$0x1] =	wrdreg $0xFFFFFFFF  }
0xb0: {  	[dreg:$0x0] =	wrdreg $0x60  }
0xb1: {  	[dreg:$0x2] =	wrdreg s2  }
0xb2: {  	[dreg:$0x3] =	wrdreg s18  }
0xb3: {  	[dreg:$0x4] =	wrdreg s4  }
0xb4: {  	[dreg:$0x5] =	wrdreg s5  }
0xb5: {  	[dreg:$0x6] =	wrdreg s24  }
0xb6: {  	[dreg:$0x7] =	wrdreg $0x0  }
0xb7: {  	[dreg:$0x8] =	wrdreg $0x9  }
0xb8: {  	_ =	task.clear_ibuf [dreg:s10], $0x9FFFF;
	_ =	strace $0x90000046  }
0xb9: {  	s29 =	simm.s32 $0x9;
	_ =	strace $0x80000048  }
0xba: {  	_ =	swait.ge [sflag:s29], $0x1  }
0xbb: {  	[sflag:s29] =	ssyncadd.s32 $0xFFFFFFFF  }
0xbc: {  	_ =	strace $0x90000048  }
0xbd: {  	_ =	sfence  }
0xbe: {  	s30 =	sld [smem:$0x0];
	_ =	sdelay $0x2  }
0xbf: {  	s31 =	sshll.u32 s1, $0xD;
	s1 =	sshrl.u32 s1, $0x2  }
0xc0: {  	s3 =	sand.u32 $0x4000, s31;
	s1 =	sadd.s32 s1, s30  }
0xc1: {  	s0 =	sor.u32 s3, s0;
	s1 =	sshll.u32 s1, $0x11  }
0xc2: {  	s0 =	sor.u32 s1, s0  }
0xc3: {  	s0 =	sadd.s32 $0x8F2B, s0  }
0xc4: {  	[sflag:s0] =	ssyncadd.remote.s32 $0x1  }
0xc5: {  	_ =	sfence.sel $0xFFFF  }
0xc6: {  	[dreg:$0x0] =	wrdreg $0xFFFFFFFF;
	(pc) =	sbr.abs _section_cstart, $3  }
0xc7: {  	[dreg:$0x1] =	wrdreg $0xFFFFFFFF  }
0xc8: {  	_ =	task.clear_ibuf [dreg:s10], $0x2FFFF;
	_ =	strace $0x9FFFFFFF  }
0xc9: {  	(tm) =	ssettm $0x7FFFFFFF  }
tec
execute0_lowered:
.L_overlay_start_1:
0x0: {  	(tag) =	ssettag $0x1  }
0x1: {  	s1 =	rddreg [dreg:$0x0]  }
0x2: {  	s0 =	rddreg [dreg:$0x1]  }
0x3: {  	s2 =	rddreg [dreg:$0x2]  }
0x4: {  	s3 =	rddreg [dreg:$0x4]  }
0x5: {  	s4 =	rddreg [dreg:$0x5]  }
0x6: {  	s6 =	srdreg.scid;
	s10 =	stileid.u32  }
0x7: {  	s5 =	simm.s32 $0x0;
	s18 =	simm.s32 $0x13880;
	s19 =	simm.s32 $0x7  }
0x8: {  	s20 =	simm.s32 $0x15F90;
	s21 =	simm.s32 $0x50;
	s22 =	simm.s32 $0x186A0  }
0x9: {  	s24 =	simm.s32 $0x1AEA0;
	s29 =	simm.s32 $0x2;
	s31 =	simm.s32 $0x4  }
0xa: {  	s23 =	simm.s32 $0x5;
	s30 =	simm.s32 $0x6;
	s28 =	simm.s32 $0x0  }
0xb: {  	s6 =	sand.u32 $0x1, s6;
	s8 =	smul.u32 $0x13880, s10;
	[smem:$0x7FF] =	sst s5  }
0xc: {  	s7 =	smul.u32 $0x138800, s6;
	_ =	strace $0x80000047;
	s9 =	sshll.u32 s6, $0x4  }
0xd: {  	s6 =	ssub.s32 $0x2, s6;
	s9 =	sor.u32 s10, s9;
	s10 =	smul.u32 $0x4E200, s10  }
0xe: {  	s25 =	sshrl.u32 s6, $0x1;
	s7 =	sadd.s32 s8, s7;
	s9 =	smul.u32 $0x4E2, s9  }
0xf: {  	s17 =	ssub.s32 s6, s25;
	s8 =	sadd.s32 s8, s4;
	s25 =	simm.s32 $0x1D6A0  }
0x10: {  	s7 =	sshrl.u32 s7, $0x3;
	s10 =	sshrl.u32 s10, $0x2;
	s17 =	smax.u32 s17, $0x1  }
0x11: {  	s3 =	sadd.s32 s7, s3;
	s0 =	sadd.s32 s0, s9;
	s26 =	sadd.s32 s10, s4  }
0x12: {  	s7 =	sadd.s32 s2, s9;
	s2 =	simm.s32 $0x3;
	[dreg:$0x7] =	wrdreg s0  }
0x13: {  	s9 =	sadd.s32 $0x2800, s26;
	s10 =	sadd.s32 $0x5000, s26;
	s11 =	sadd.s32 $0x7800, s26  }
0x14: {  	s12 =	sadd.s32 $0xA000, s26;
	s13 =	sadd.s32 $0xC800, s26;
	s14 =	sadd.s32 $0xF000, s26  }
0x15: {  	s15 =	sadd.s32 $0x11800, s26;
	s16 =	sadd.s32 $0x1000, s3;
	s26 =	simm.s32 $0x1  }
.LBB2_1:
0x16: {  	s0 =	rddreg [dreg:$0x7]  }
0x17: {  	[tilespmem:s18], [sflag:$0x7] =	stream.linear.gather [hbm4b:s0+s5], $0x2710, $0x38;
	[tilespmem:$0x1FEA0] =	vst v63  }
0x18: {  	_ =	swait.ge [sflag:s19], $0x2710  }
0x19: {  	[sflag:s19] =	ssyncset.done $0x0  }
0x1a: {  	[sflag:s19] =	ssyncadd.s32 $0xFFFFD8F0  }
0x1b: {  	[tilespmem:s20], [sflag:$0x7] =	stream.linear.gather [hbm4b:s7+s5], $0x2710, $0x38;
	[tilespmem:$0x1FEA0] =	vst v63  }
0x1c: {  	_ =	swait.ge [sflag:s19], $0x2710  }
0x1d: {  	[sflag:s19] =	ssyncset.done $0x0  }
0x1e: {  	[sflag:s19] =	ssyncadd.s32 $0xFFFFD8F0  }
0x1f: {  	[tilespmem:s22], [sflag:$0x1] =	stream.indirect.gather [hbm4b:s1+s21], $0x80, s18, s21, $0xb8;
	[tilespmem:$0x1FEA0] =	vst v63  }
0x20: {  	s3 =	simm.s32 $0x138D0  }
0x21: {  	[tilespmem:s24], [sflag:$0x2] =	stream.indirect.gather [hbm4b:s1+s21], $0x80, s3, s21, $0xb8;
	[tilespmem:$0x1FEA0] =	vst v63  }
0x22: {  	s6 =	rddreg [dreg:$0x3]  }
0x23: {  	[tilespmem:s25], [sflag:$0x7] =	stream.linear.gather [hbm4b:s6+s5], $0x2800, $0x38;
	[tilespmem:$0x1FEA0] =	vst v63  }
0x24: {  	_ =	swait.ge [sflag:s19], $0x2800  }
0x25: {  	[sflag:s19] =	ssyncset.done $0x0  }
0x26: {  	[sflag:s19] =	ssyncadd.s32 $0xFFFFD800  }
0x27: {  	[spmem:s8] =	stream.linear.scatter [tilespmem:s25], [sflag:$0x7], $0x2800, $0x38;
	[tilespmem:$0x1FEA0] =	vst v63  }
0x28: {  	_ =	swait.ge [sflag:s19], $0x2800  }
0x29: {  	[sflag:s19] =	ssyncset.done $0x0  }
0x2a: {  	[sflag:s19] =	ssyncadd.s32 $0xFFFFD800  }
0x2b: {  	[spmem:s9] =	stream.linear.scatter [tilespmem:s25], [sflag:$0x7], $0x2800, $0x38;
	[tilespmem:$0x1FEA0] =	vst v63  }
0x2c: {  	_ =	swait.ge [sflag:s19], $0x2800  }
0x2d: {  	[sflag:s19] =	ssyncset.done $0x0  }
0x2e: {  	[sflag:s19] =	ssyncadd.s32 $0xFFFFD800  }
0x2f: {  	[spmem:s10] =	stream.linear.scatter [tilespmem:s25], [sflag:$0x7], $0x2800, $0x38;
	[tilespmem:$0x1FEA0] =	vst v63  }
0x30: {  	_ =	swait.ge [sflag:s19], $0x2800  }
0x31: {  	[sflag:s19] =	ssyncset.done $0x0  }
0x32: {  	[sflag:s19] =	ssyncadd.s32 $0xFFFFD800  }
0x33: {  	[spmem:s11] =	stream.linear.scatter [tilespmem:s25], [sflag:$0x7], $0x2800, $0x38;
	[tilespmem:$0x1FEA0] =	vst v63  }
0x34: {  	_ =	swait.ge [sflag:s19], $0x2800  }
0x35: {  	[sflag:s19] =	ssyncset.done $0x0  }
0x36: {  	[sflag:s19] =	ssyncadd.s32 $0xFFFFD800  }
0x37: {  	[spmem:s12] =	stream.linear.scatter [tilespmem:s25], [sflag:$0x7], $0x2800, $0x38;
	[tilespmem:$0x1FEA0] =	vst v63  }
0x38: {  	_ =	swait.ge [sflag:s19], $0x2800  }
0x39: {  	[sflag:s19] =	ssyncset.done $0x0  }
0x3a: {  	[sflag:s19] =	ssyncadd.s32 $0xFFFFD800  }
0x3b: {  	[spmem:s13] =	stream.linear.scatter [tilespmem:s25], [sflag:$0x7], $0x2800, $0x38;
	[tilespmem:$0x1FEA0] =	vst v63  }
0x3c: {  	_ =	swait.ge [sflag:s19], $0x2800  }
0x3d: {  	[sflag:s19] =	ssyncset.done $0x0  }
0x3e: {  	[sflag:s19] =	ssyncadd.s32 $0xFFFFD800  }
0x3f: {  	[spmem:s14] =	stream.linear.scatter [tilespmem:s25], [sflag:$0x7], $0x2800, $0x38;
	[tilespmem:$0x1FEA0] =	vst v63  }
0x40: {  	_ =	swait.ge [sflag:s19], $0x2800  }
0x41: {  	[sflag:s19] =	ssyncset.done $0x0  }
0x42: {  	[sflag:s19] =	ssyncadd.s32 $0xFFFFD800  }
0x43: {  	[spmem:s15] =	stream.linear.scatter [tilespmem:s25], [sflag:$0x7], $0x2080, $0x38;
	[tilespmem:$0x1FEA0] =	vst v63  }
0x44: {  	_ =	swait.ge [sflag:s19], $0x2080  }
0x45: {  	[sflag:s19] =	ssyncset.done $0x0  }
0x46: {  	[sflag:s19] =	ssyncadd.s32 $0xFFFFDF80  }
0x47: {  	[bflag:$0x0] =	sbarrier.arrive $0xFFFF  }
0x48: {  	_ =	swait.ge [sflag:s26], $0x2800  }
0x49: {  	[sflag:s26] =	ssyncset.done $0x0  }
0x4a: {  	[sflag:s26] =	ssyncadd.s32 $0xFFFFD800  }
0x4b: {  	[spmem:s4] =	stream.indirect.scatter.add.f32 [tilespmem:s22], [sflag:$0x4], $0x80, s20, s21, $0xb8;
	[tilespmem:$0x1FEA0] =	vst v63  }
0x4c: {  	s3 =	simm.s32 $0x13920  }
0x4d: {  	[tilespmem:s25], [sflag:$0x3] =	stream.indirect.gather [hbm4b:s1+s21], $0x80, s3, s21, $0xb8;
	[tilespmem:$0x1FEA0] =	vst v63  }
0x4e: {  	_ =	swait.ge [sflag:s29], $0x2800  }
0x4f: {  	[sflag:s29] =	ssyncset.done $0x0  }
0x50: {  	s6 =	simm.s32 $0x15FE0;
	[sflag:s29] =	ssyncadd.s32 $0xFFFFD800  }
0x51: {  	[spmem:s4] =	stream.indirect.scatter.add.f32 [tilespmem:s24], [sflag:$0x5], $0x80, s6, s21, $0xb8;
	[tilespmem:$0x1FEA0] =	vst v63  }
0x52: {  	_ =	swait.ge [sflag:s31], $0x2800  }
0x53: {  	[sflag:s31] =	ssyncset.done $0x0  }
0x54: {  	s3 =	simm.s32 $0x13970;
	[sflag:s31] =	ssyncadd.s32 $0xFFFFD800  }
0x55: {  	[tilespmem:s22], [sflag:$0x1] =	stream.indirect.gather [hbm4b:s1+s21], $0x80, s3, s21, $0xb8;
	[tilespmem:$0x1FEA0] =	vst v63  }
0x56: {  	_ =	swait.ge [sflag:s2], $0x2800  }
0x57: {  	[sflag:s2] =	ssyncset.done $0x0  }
0x58: {  	s6 =	simm.s32 $0x16030;
	[sflag:s2] =	ssyncadd.s32 $0xFFFFD800  }
0x59: {  	[spmem:s4] =	stream.indirect.scatter.add.f32 [tilespmem:s25], [sflag:$0x6], $0x80, s6, s21, $0xb8;
	[tilespmem:$0x1FEA0] =	vst v63  }
0x5a: {  	_ =	swait.ge [sflag:s23], $0x2800  }
0x5b: {  	[sflag:s23] =	ssyncset.done $0x0  }
0x5c: {  	s3 =	simm.s32 $0x139C0;
	[sflag:s23] =	ssyncadd.s32 $0xFFFFD800  }
0x5d: {  	[tilespmem:s24], [sflag:$0x2] =	stream.indirect.gather [hbm4b:s1+s21], $0x80, s3, s21, $0xb8;
	[tilespmem:$0x1FEA0] =	vst v63  }
0x5e: {  	_ =	swait.ge [sflag:s26], $0x2800  }
0x5f: {  	[sflag:s26] =	ssyncset.done $0x0  }
0x60: {  	s6 =	simm.s32 $0x16080;
	[sflag:s26] =	ssyncadd.s32 $0xFFFFD800  }
0x61: {  	[spmem:s4] =	stream.indirect.scatter.add.f32 [tilespmem:s22], [sflag:$0x4], $0x80, s6, s21, $0xb8;
	[tilespmem:$0x1FEA0] =	vst v63  }
0x62: {  	_ =	swait.ge [sflag:s30], $0x2800  }
0x63: {  	[sflag:s30] =	ssyncset.done $0x0  }
0x64: {  	s3 =	simm.s32 $0x13A10;
	[sflag:s30] =	ssyncadd.s32 $0xFFFFD800  }
0x65: {  	[tilespmem:s25], [sflag:$0x3] =	stream.indirect.gather [hbm4b:s1+s21], $0x80, s3, s21, $0xb8;
	[tilespmem:$0x1FEA0] =	vst v63  }
0x66: {  	_ =	swait.ge [sflag:s29], $0x2800  }
0x67: {  	[sflag:s29] =	ssyncset.done $0x0  }
0x68: {  	s6 =	simm.s32 $0x160D0;
	[sflag:s29] =	ssyncadd.s32 $0xFFFFD800  }
0x69: {  	[spmem:s4] =	stream.indirect.scatter.add.f32 [tilespmem:s24], [sflag:$0x5], $0x80, s6, s21, $0xb8;
	[tilespmem:$0x1FEA0] =	vst v63  }
0x6a: {  	_ =	swait.ge [sflag:s31], $0x2800  }
0x6b: {  	[sflag:s31] =	ssyncset.done $0x0  }
0x6c: {  	s3 =	simm.s32 $0x13A60;
	[sflag:s31] =	ssyncadd.s32 $0xFFFFD800  }
0x6d: {  	[tilespmem:s22], [sflag:$0x1] =	stream.indirect.gather [hbm4b:s1+s21], $0x80, s3, s21, $0xb8;
	[tilespmem:$0x1FEA0] =	vst v63  }
0x6e: {  	_ =	swait.ge [sflag:s2], $0x2800  }
0x6f: {  	[sflag:s2] =	ssyncset.done $0x0  }
0x70: {  	s6 =	simm.s32 $0x16120;
	[sflag:s2] =	ssyncadd.s32 $0xFFFFD800  }
0x71: {  	[spmem:s4] =	stream.indirect.scatter.add.f32 [tilespmem:s25], [sflag:$0x6], $0x80, s6, s21, $0xb8;
	[tilespmem:$0x1FEA0] =	vst v63  }
0x72: {  	_ =	swait.ge [sflag:s23], $0x2800  }
0x73: {  	[sflag:s23] =	ssyncset.done $0x0  }
0x74: {  	s0 =	simm.s32 $0x3C0;
	s3 =	simm.s32 $0x13AB0;
	[sflag:s23] =	ssyncadd.s32 $0xFFFFD800  }
.LBB2_2:
0x75: {  	[tilespmem:s24], [sflag:$0x2] =	stream.indirect.gather [hbm4b:s1+s21], $0x80, s3, s21, $0xb8;
	[tilespmem:$0x1FEA0] =	vst v63  }
0x76: {  	s3 =	smov.u32 s0  }
0x77: {  	p0 =	sne.s32 s0, $0x9240;
	s0 =	sadd.s32 $0x3C0, s0;
	_ =	swait.ge [sflag:s26], $0x2800  }
0x78: {  	s3 =	sshra.s32 s3, $0x2;
	[sflag:s26] =	ssyncset.done $0x0  }
0x79: {  	s6 =	sadd.s32 $0x16080, s3;
	[sflag:s26] =	ssyncadd.s32 $0xFFFFD800  }
0x7a: {  	[spmem:s4] =	stream.indirect.scatter.add.f32 [tilespmem:s22], [sflag:$0x4], $0x80, s6, s21, $0xb8;
	[tilespmem:$0x1FEA0] =	vst v63  }
0x7b: {  	_ =	swait.ge [sflag:s30], $0x2800  }
0x7c: {  	[sflag:s30] =	ssyncset.done $0x0  }
0x7d: {  	s6 =	sadd.s32 $0x13A10, s3;
	[sflag:s30] =	ssyncadd.s32 $0xFFFFD800  }
0x7e: {  	[tilespmem:s25], [sflag:$0x3] =	stream.indirect.gather [hbm4b:s1+s21], $0x80, s6, s21, $0xb8;
	[tilespmem:$0x1FEA0] =	vst v63  }
0x7f: {  	_ =	swait.ge [sflag:s29], $0x2800  }
0x80: {  	[sflag:s29] =	ssyncset.done $0x0  }
0x81: {  	s6 =	sadd.s32 $0x160D0, s3;
	[sflag:s29] =	ssyncadd.s32 $0xFFFFD800  }
0x82: {  	[spmem:s4] =	stream.indirect.scatter.add.f32 [tilespmem:s24], [sflag:$0x5], $0x80, s6, s21, $0xb8;
	[tilespmem:$0x1FEA0] =	vst v63  }
0x83: {  	_ =	swait.ge [sflag:s31], $0x2800  }
0x84: {  	[sflag:s31] =	ssyncset.done $0x0  }
0x85: {  	s6 =	sadd.s32 $0x13A60, s3;
	[sflag:s31] =	ssyncadd.s32 $0xFFFFD800  }
0x86: {  	[tilespmem:s22], [sflag:$0x1] =	stream.indirect.gather [hbm4b:s1+s21], $0x80, s6, s21, $0xb8;
	[tilespmem:$0x1FEA0] =	vst v63  }
0x87: {  	_ =	swait.ge [sflag:s2], $0x2800  }
0x88: {  	[sflag:s2] =	ssyncset.done $0x0  }
.Ltmp0:
0x89: {  	s6 =	sadd.s32 $0x16120, s3;
	[sflag:s2] =	ssyncadd.s32 $0xFFFFD800;
	(pc) =	sbr.rel @p0 .LBB2_2-.Ltmp0, $4  }
0x8a: {  	[spmem:s4] =	stream.indirect.scatter.add.f32 [tilespmem:s25], [sflag:$0x6], $0x80, s6, s21, $0xb8;
	[tilespmem:$0x1FEA0] =	vst v63  }
0x8b: {  	_ =	swait.ge [sflag:s23], $0x2800  }
0x8c: {  	[sflag:s23] =	ssyncset.done $0x0  }
0x8d: {  	s3 =	sadd.s32 $0x13AB0, s3;
	[sflag:s23] =	ssyncadd.s32 $0xFFFFD800  }
0x8e: {  	[tilespmem:s24], [sflag:$0x2] =	stream.indirect.gather [hbm4b:s1+s21], $0x80, s3, s21, $0xb8;
	[tilespmem:$0x1FEA0] =	vst v63  }
0x8f: {  	_ =	swait.ge [sflag:s26], $0x2800  }
0x90: {  	[sflag:s26] =	ssyncset.done $0x0  }
0x91: {  	s0 =	simm.s32 $0x18600;
	[sflag:s26] =	ssyncadd.s32 $0xFFFFD800  }
0x92: {  	[spmem:s4] =	stream.indirect.scatter.add.f32 [tilespmem:s22], [sflag:$0x4], $0x80, s0, s21, $0xb8;
	[tilespmem:$0x1FEA0] =	vst v63  }
0x93: {  	_ =	swait.ge [sflag:s30], $0x2800  }
0x94: {  	[sflag:s30] =	ssyncset.done $0x0  }
0x95: {  	[sflag:s30] =	ssyncadd.s32 $0xFFFFD800  }
0x96: {  	_ =	swait.ge [sflag:s29], $0x2800  }
0x97: {  	[sflag:s29] =	ssyncset.done $0x0  }
0x98: {  	s6 =	simm.s32 $0x18650;
	[sflag:s29] =	ssyncadd.s32 $0xFFFFD800  }
0x99: {  	[spmem:s4] =	stream.indirect.scatter.add.f32 [tilespmem:s24], [sflag:$0x5], $0x80, s6, s21, $0xb8;
	[tilespmem:$0x1FEA0] =	vst v63  }
0x9a: {  	_ =	swait.ge [sflag:s31], $0x2800  }
0x9b: {  	[sflag:s31] =	ssyncset.done $0x0  }
0x9c: {  	[sflag:s31] =	ssyncadd.s32 $0xFFFFD800  }
0x9d: {  	s3 =	stileid.u32;
	_ =	swait.ge [sflag:s23], $0x2800  }
0x9e: {  	s28 =	sadd.s32 $0x1, s28;
	s0 =	sshll.u32 s3, $0x6;
	[sflag:s23] =	ssyncset.done $0x0  }
0x9f: {  	p0 =	sne.s32 s28, s17;
	s0 =	sor.u32 $0x1C07, s0;
	[sflag:s23] =	ssyncadd.s32 $0xFFFFD800  }
.Ltmp1:
0xa0: {  	s6 =	sshrl.u32 s8, $0x3;
	[bflag:$0x0] =	sbarrier.arrive $0xFFFF;
	(pc) =	sbr.rel @p0 .LBB2_1-.Ltmp1, $4  }
0xa1: {  	[hbm:s16], [sflag:s0] =	dma.local [spmem:s6], $0x2710  }
0xa2: {  	_ =	swait.ge [sflag:s19], $0x2710  }
0xa3: {  	[sflag:s19] =	ssyncset.done $0x0  }
0xa4: {  	[sflag:s19] =	ssyncadd.s32 $0xFFFFD8F0  }
0xa5: {  	_ =	sfence.sel $0x180000  }
0xa6: {  	[bflag:$0x0] =	sbarrier.arrive $0xFFFF  }
0xa7: {  	_ =	strace $0x90000047  }
0xa8: {  	s0 =	stileid.u32;
	[bflag:$0x2] =	sbarrier.arrive $0xFFFF  }
0xa9: {  	p0 =	sne.s32 s0, $0x0;
	s0 =	rddreg [dreg:$0x6]  }
0xaa: {  	s0 =	sadd.s32 @!p0 $0x100000, s0  }
0xab: {  	[sflag:s0] =	ssyncadd.tile.s32 @!p0 $0x1;
	_ =	shalt  }
.Lfunc_end2:
_tile_overlayer_lowered:
.L_overlay_start_2:
0xac: {  	(tag) =	ssettag $0x2  }
0xad: {  	s0 =	rddreg [dreg:$0x0];
	s2 =	stileid.u32  }
0xae: {  	s1 =	rddreg [dreg:$0x1];
	p0 =	sne.s32 s2, $0x0  }
0xaf: {  	s3 =	rddreg [dreg:$0x2];
	[bflag:$0x3] =	sbarrier.arrive $0xFFFF;
	s2 =	simm.s32 @!p0 $0x1C07  }
0xb0: {  	[timem:s3], [sflag:s2] =	dma.local @!p0 [hbm:s0], s1  }
0xb1: {  	s0 =	simm.s32 @!p0 $0x7  }
0xb2: {  	_ =	swait.ge @!p0 [sflag:s0], s1  }
0xb3: {  	s1 =	ssub.s32 @!p0 $0x0, s1;
	[sflag:s0] =	ssyncset.done @!p0 $0x0  }
0xb4: {  	[sflag:s0] =	ssyncadd.s32 @!p0 s1  }
0xb5: {  	[bflag:$0x3] =	sbarrier.arrive $0xFFFF  }
0xb6: {  	_ =	shalt  }

</sc_bundles>
